<compile_context>
chip_gen: v7x
topology: tpu7x:2x2x1
jax: 0.10.2.dev20260603
libtpu: 0.0.44.dev20260713+nightly
codegen_flags: <defaults>
</compile_context>

<pallas_src>
import functools

import jax
import jax.numpy as jnp
from jax import lax
from jax.experimental import pallas as pl
from jax.experimental.pallas import tpu as pltpu
from jax.experimental.pallas import tpu_sc as plsc
from jax.scipy.linalg import block_diag


HP = 16
MLP_R = 20000


def _mlp_weights(atom_fea, W1, b1t, W2blk, b2t):
    N, D = atom_fea.shape
    HID = W1.shape[1]
    R, C = MLP_R, MLP_R // 8

    def body(x_ref, w1_ref, b1_ref, w2_ref, b2_ref, o_ref):
        w1 = w1_ref[...]
        zs = [
            jnp.dot(x_ref[pl.ds(g * C, C), :], w1,
                    preferred_element_type=jnp.float32)
            for g in range(8)
        ]
        z = jnp.concatenate(zs, axis=1) + b1_ref[...]
        h = z * (1.0 / (1.0 + jnp.exp(-z)))
        lg = jnp.dot(h, w2_ref[...], preferred_element_type=jnp.float32)
        lgp = lg + b2_ref[...]
        lane = jax.lax.broadcasted_iota(jnp.int32, (C, 128), 1)
        valid = (lane & (HP - 1)) < 4
        a = jnp.maximum(lgp, pltpu.roll(lgp, 127, 1))
        b = jnp.maximum(a, pltpu.roll(a, 126, 1))
        m = jnp.maximum(b, pltpu.roll(b, 4, 1))
        e = jnp.where(valid, jnp.exp(lgp - m), 0.0)
        a2 = e + pltpu.roll(e, 127, 1)
        b2 = a2 + pltpu.roll(a2, 126, 1)
        s = b2 + pltpu.roll(b2, 4, 1)
        o_ref[...] = (e / s).reshape(1, C, 128)

    return pl.pallas_call(
        body,
        grid=(N // R,),
        in_specs=[
            pl.BlockSpec((R, D), lambda i: (i, 0)),
            pl.BlockSpec((D, HID), lambda i: (0, 0)),
            pl.BlockSpec((1, 8 * HID), lambda i: (0, 0)),
            pl.BlockSpec((8 * HID, 8 * HP), lambda i: (0, 0)),
            pl.BlockSpec((1, 8 * HP), lambda i: (0, 0)),
        ],
        out_specs=pl.BlockSpec((1, C, 128), lambda i: (i, 0, 0)),
        out_shape=jax.ShapeDtypeStruct((N // R, C, 128), jnp.float32),
    )(atom_fea, W1, b1t, W2blk, b2t)


def _sc_pool(atom_fea, cw, idx, idxw, H):
    N, D = atom_fea.shape
    B, A = idx.shape
    info = plsc.get_sparse_core_info()
    NC, NS, L = info.num_cores, info.num_subcores, info.num_lanes
    NW = NC * NS
    per_w = B // NW
    nseg = D // L
    mesh = plsc.VectorSubcoreMesh(core_axis_name="c", subcore_axis_name="s")

    @functools.partial(
        pl.kernel,
        mesh=mesh,
        compiler_params=pltpu.CompilerParams(use_tc_tiling_on_sc=False),
        out_type=jax.ShapeDtypeStruct((B, H * D), jnp.float32),
        scratch_types=[
            pltpu.VMEM((per_w, A), jnp.int32),
            pltpu.VMEM((per_w, A), jnp.int32),
            pltpu.VMEM((A, D), jnp.float32),
            pltpu.VMEM((A, D), jnp.float32),
            pltpu.VMEM((A, HP), jnp.float32),
            pltpu.VMEM((A, HP), jnp.float32),
            pltpu.VMEM((H * D,), jnp.float32),
            pltpu.SemaphoreType.DMA,
            pltpu.SemaphoreType.DMA,
            pltpu.SemaphoreType.DMA,
            pltpu.SemaphoreType.DMA,
        ],
    )
    def pool(atom_hbm, cw_hbm, idx_hbm, idxw_hbm, out_hbm,
             idx_v, idxw_v, rows0, rows1, cwr0, cwr1, out_v,
             sa0, sa1, sw0, sw1):
        wid = lax.axis_index("s") * NC + lax.axis_index("c")
        base = wid * per_w
        pltpu.sync_copy(idx_hbm.at[pl.ds(base, per_w)], idx_v)
        pltpu.sync_copy(idxw_hbm.at[pl.ds(base, per_w)], idxw_v)
        slots = ((rows0, cwr0, sa0, sw0), (rows1, cwr1, sa1, sw1))

        def start(i, rows_v, cwr_v, sa, sw):
            pltpu.async_copy(atom_hbm.at[idx_v.at[i]], rows_v, sa)
            pltpu.async_copy(cw_hbm.at[idxw_v.at[i]], cwr_v, sw)

        def wait(i, rows_v, cwr_v, sa, sw):
            pltpu.make_async_copy(atom_hbm.at[idx_v.at[i]], rows_v, sa).wait()
            pltpu.make_async_copy(cw_hbm.at[idxw_v.at[i]], cwr_v, sw).wait()

        def compute(i, rows_v, cwr_v, *_):
            def atom(a, accs):
                accs = list(accs)
                cwvec = cwr_v[a, :]
                dnums = lax.GatherDimensionNumbers(
                    offset_dims=(), collapsed_slice_dims=(0,),
                    start_index_map=(0,))
                cwb = [
                    lax.gather(cwvec, jnp.full((L, 1), h, jnp.int32), dnums,
                               slice_sizes=(1,),
                               mode=lax.GatherScatterMode.PROMISE_IN_BOUNDS)
                    for h in range(H)
                ]
                for seg in range(nseg):
                    v = rows_v[a, pl.ds(seg * L, L)]
                    for h in range(H):
                        accs[h * nseg + seg] = accs[h * nseg + seg] + cwb[h] * v
                return tuple(accs)

            accs = lax.fori_loop(
                0, A, atom,
                tuple(jnp.zeros((L,), jnp.float32) for _ in range(H * nseg)))
            for j in range(H * nseg):
                out_v[pl.ds(j * L, L)] = accs[j]
            pltpu.sync_copy(out_v, out_hbm.at[base + i])

        start(0, *slots[0])

        def body(j, carry):
            i0 = 2 * j
            i1 = 2 * j + 1
            start(i1, *slots[1])
            wait(i0, *slots[0])
            compute(i0, *slots[0])

            @pl.when(i1 + 1 < per_w)
            def _():
                start(i1 + 1, *slots[0])

            wait(i1, *slots[1])
            compute(i1, *slots[1])
            return carry

        lax.fori_loop(0, per_w // 2, body, 0)

    return pool(atom_fea, cw, idx, idxw)


def _project(flat, Wp, bp_2d):
    B, HD = flat.shape
    D = Wp.shape[1]

    def body(f_ref, wp_ref, bp_ref, o_ref):
        y = jnp.dot(f_ref[...], wp_ref[...], preferred_element_type=jnp.float32)
        y = y + bp_ref[...]
        o_ref[...] = y * (1.0 / (1.0 + jnp.exp(-y)))

    return pl.pallas_call(
        body,
        out_shape=jax.ShapeDtypeStruct((B, D), jnp.float32),
    )(flat, Wp, bp_2d)


def kernel(atom_fea, crystal_atom_idx, W1, b1, W2, b2, Wp, bp):
    N = atom_fea.shape[0]
    H = W2.shape[1]
    W2p = jnp.pad(W2, ((0, 0), (0, HP - H)))
    b2p = jnp.concatenate([b2, jnp.full((HP - H,), -1e30, b2.dtype)])
    W2blk = block_diag(*([W2p] * 8))
    b1t = jnp.tile(b1, 8).reshape(1, -1)
    b2t = jnp.tile(b2p, 8).reshape(1, -1)
    cw_packed = _mlp_weights(atom_fea, W1, b1t, W2blk, b2t)
    cw16 = cw_packed.reshape(N, HP)
    rem = crystal_atom_idx % MLP_R
    idxw = (crystal_atom_idx - rem) + 8 * (rem % (MLP_R // 8)) \
        + rem // (MLP_R // 8)
    flat = _sc_pool(atom_fea, cw16, crystal_atom_idx, idxw, H)
    return _project(flat, Wp, bp.reshape(1, -1))

# --- scband reference (transcript-rebuilt; emitter-appended) ---
"""Pipeline reference for scband-attention-readout-9929964388802 (READ-ONLY COPY).

The authoritative reference and input builder live on the scoring server;
editing this copy changes nothing except your own understanding.
"""

import jax, jax.numpy as jnp
import numpy as np

N = 100000
B = 1024
A = 96
D = 128
HID = 32
H = 4


def _silu(x):
    return x * jax.nn.sigmoid(x)


def setup_inputs(seed: int = 0) -> dict:
    key = jax.random.key(seed)
    ks = jax.random.split(key, 6)
    atom_fea = jax.random.normal(ks[0], (N, D), dtype=jnp.float32)
    crystal_atom_idx = jax.random.randint(ks[1], (B, A), 0, N, dtype=jnp.int64 if jax.config.jax_enable_x64 else jnp.int32).astype(jnp.int32)
    W1 = jax.random.normal(ks[2], (D, HID), dtype=jnp.float32) * (1.0 / np.sqrt(D))
    b1 = jnp.zeros((HID,), dtype=jnp.float32)
    W2 = jax.random.normal(ks[3], (HID, H), dtype=jnp.float32) * (1.0 / np.sqrt(HID))
    b2 = jnp.zeros((H,), dtype=jnp.float32)
    Wp = jax.random.normal(ks[4], (H * D, D), dtype=jnp.float32) * (1.0 / np.sqrt(H * D))
    bp = jnp.zeros((D,), dtype=jnp.float32)
    return {
        "atom_fea": atom_fea,
        "crystal_atom_idx": crystal_atom_idx,
        "W1": W1,
        "b1": b1,
        "W2": W2,
        "b2": b2,
        "Wp": Wp,
        "bp": bp,
    }


def reference(atom_fea, crystal_atom_idx, W1, b1, W2, b2, Wp, bp):
    # key MLP: Linear -> SiLU -> (Dropout eval=identity) -> Linear
    weights = _silu(atom_fea @ W1 + b1) @ W2 + b2  # [N, H]
    # Gather per-crystal atom features and attention logits
    caf = jnp.take(atom_fea, crystal_atom_idx, axis=0)      # [B, A, D]
    cwl = jnp.take(weights, crystal_atom_idx, axis=0)       # [B, A, H]
    # torch softmax dim=1 on per-crystal [A, H] -> softmax over head dim
    cw = jax.nn.softmax(cwl, axis=-1)                       # [B, A, H]
    # weighted_sum[h] = sum_a cw[:, a, h] * caf[:, a, :]
    ws = jnp.einsum('bah,bad->bhd', cw, caf)                # [B, H, D]
    flat = ws.reshape(ws.shape[0], H * D)                   # [B, H*D]
    # project: Linear -> SiLU -> (Dropout eval=identity)
    out = _silu(flat @ Wp + bp)                             # [B, D]
    return out

if __name__ == "__main__":
    import jax
    _d = setup_inputs()
    print(jax.jit(kernel)(*tuple(_d.values())))

</pallas_src>

<mosaic_0001>
#map = affine_map<(d0, d1) -> (0, 0)>
module attributes {stable_mosaic.version = 14 : i64} {
  func.func @pool(%arg0: i32, %arg1: i32, %arg2: memref<100000x128xf32, #tpu.memory_space<hbm>>, %arg3: memref<100000x16xf32, #tpu.memory_space<hbm>>, %arg4: memref<1024x96xi32, #tpu.memory_space<hbm>>, %arg5: memref<1024x96xi32, #tpu.memory_space<hbm>>, %arg6: memref<1024x512xf32, #tpu.memory_space<hbm>>, %arg7: memref<32x96xi32, #tpu.memory_space<vmem>>, %arg8: memref<32x96xi32, #tpu.memory_space<vmem>>, %arg9: memref<96x128xf32, #tpu.memory_space<vmem>>, %arg10: memref<96x128xf32, #tpu.memory_space<vmem>>, %arg11: memref<96x16xf32, #tpu.memory_space<vmem>>, %arg12: memref<96x16xf32, #tpu.memory_space<vmem>>, %arg13: memref<512xf32, #tpu.memory_space<vmem>>, %arg14: memref<!tpu.dma_semaphore, #tpu.memory_space<semaphore_mem>>, %arg15: memref<!tpu.dma_semaphore, #tpu.memory_space<semaphore_mem>>, %arg16: memref<!tpu.dma_semaphore, #tpu.memory_space<semaphore_mem>>, %arg17: memref<!tpu.dma_semaphore, #tpu.memory_space<semaphore_mem>>) attributes {dimension_semantics = [#tpu.dimension_semantics<core_parallel>, #tpu.dimension_semantics<subcore_parallel>], iteration_bounds = array<i64: 2, 16>, scalar_prefetch = 0 : i64, scratch_operands = 11 : i64, tpu.core_type = #tpu.core_type<sc_vector_subcore>, window_params = [{transform_indices = #map}, {transform_indices = #map}, {transform_indices = #map}, {transform_indices = #map}, {transform_indices = #map}]} {
    %mul3A = arith.constant 2 : i32
    %mul3A_0 = arith.muli %arg1, %mul3A : i32
    %add3A = arith.addi %mul3A_0, %arg0 : i32
    %mul3A_1 = arith.constant 32 : i32
    %mul3A_2 = arith.muli %add3A, %mul3A_1 : i32
    "tpu.region"() ({
      %run_scoped3A = tpu.sem_alloc : memref<!tpu.dma_semaphore, #tpu.memory_space<semaphore_mem>>
      %dma_start3A_21 = arith.constant 0 : i32
      %dma_start3A_22 = tpu.memref_slice %arg4[%mul3A_2, %dma_start3A_21] : memref<1024x96xi32, #tpu.memory_space<hbm>> -> memref<32x96xi32, #tpu.memory_space<hbm>>
      %dma_start3A_23 = arith.constant 0 : i32
      %dma_start3A_24 = tpu.memref_slice %arg4[%mul3A_2, %dma_start3A_23] : memref<1024x96xi32, #tpu.memory_space<hbm>> -> memref<32x96xi32, #tpu.memory_space<hbm>>
      tpu.enqueue_dma source(%dma_start3A_24 : memref<32x96xi32, #tpu.memory_space<hbm>>) target(%arg7 : memref<32x96xi32, #tpu.memory_space<vmem>>) target_semaphore(%run_scoped3A : memref<!tpu.dma_semaphore, #tpu.memory_space<semaphore_mem>>)
      %dma_wait3A = arith.constant 0 : i32
      %dma_wait3A_25 = tpu.memref_slice %arg4[%mul3A_2, %dma_wait3A] : memref<1024x96xi32, #tpu.memory_space<hbm>> -> memref<32x96xi32, #tpu.memory_space<hbm>>
      %dma_wait3A_26 = arith.constant 0 : i32
      %dma_wait3A_27 = tpu.memref_slice %arg4[%mul3A_2, %dma_wait3A_26] : memref<1024x96xi32, #tpu.memory_space<hbm>> -> memref<32x96xi32, #tpu.memory_space<hbm>>
      tpu.wait_dma2 semaphore(%run_scoped3A : memref<!tpu.dma_semaphore, #tpu.memory_space<semaphore_mem>>) src(%dma_wait3A_27 : memref<32x96xi32, #tpu.memory_space<hbm>>) dst(%arg7 : memref<32x96xi32, #tpu.memory_space<vmem>>)
      tpu.yield
    }) : () -> ()
    "tpu.region"() ({
      %run_scoped3A = tpu.sem_alloc : memref<!tpu.dma_semaphore, #tpu.memory_space<semaphore_mem>>
      %dma_start3A_21 = arith.constant 0 : i32
      %dma_start3A_22 = tpu.memref_slice %arg5[%mul3A_2, %dma_start3A_21] : memref<1024x96xi32, #tpu.memory_space<hbm>> -> memref<32x96xi32, #tpu.memory_space<hbm>>
      %dma_start3A_23 = arith.constant 0 : i32
      %dma_start3A_24 = tpu.memref_slice %arg5[%mul3A_2, %dma_start3A_23] : memref<1024x96xi32, #tpu.memory_space<hbm>> -> memref<32x96xi32, #tpu.memory_space<hbm>>
      tpu.enqueue_dma source(%dma_start3A_24 : memref<32x96xi32, #tpu.memory_space<hbm>>) target(%arg8 : memref<32x96xi32, #tpu.memory_space<vmem>>) target_semaphore(%run_scoped3A : memref<!tpu.dma_semaphore, #tpu.memory_space<semaphore_mem>>)
      %dma_wait3A = arith.constant 0 : i32
      %dma_wait3A_25 = tpu.memref_slice %arg5[%mul3A_2, %dma_wait3A] : memref<1024x96xi32, #tpu.memory_space<hbm>> -> memref<32x96xi32, #tpu.memory_space<hbm>>
      %dma_wait3A_26 = arith.constant 0 : i32
      %dma_wait3A_27 = tpu.memref_slice %arg5[%mul3A_2, %dma_wait3A_26] : memref<1024x96xi32, #tpu.memory_space<hbm>> -> memref<32x96xi32, #tpu.memory_space<hbm>>
      tpu.wait_dma2 semaphore(%run_scoped3A : memref<!tpu.dma_semaphore, #tpu.memory_space<semaphore_mem>>) src(%dma_wait3A_27 : memref<32x96xi32, #tpu.memory_space<hbm>>) dst(%arg8 : memref<32x96xi32, #tpu.memory_space<vmem>>)
      tpu.yield
    }) : () -> ()
    %dma_start3A = arith.constant 0 : i32
    %dma_start3A_3 = arith.constant 0 : i32
    %dma_start3A_4 = tpu.memref_slice %arg7[%dma_start3A, %dma_start3A_3] : memref<32x96xi32, #tpu.memory_space<vmem>> -> memref<1x96xi32, #tpu.memory_space<vmem>>
    %dma_start3A_5 = tpu.memref_squeeze %dma_start3A_4 : memref<1x96xi32, #tpu.memory_space<vmem>> -> memref<96xi32, #tpu.memory_space<vmem>>
    %dma_start3A_6 = arith.constant 0 : i32
    %dma_start3A_7 = arith.constant 0 : i32
    %dma_start3A_8 = tpu.memref_slice %arg2[%dma_start3A_6, %dma_start3A_7] : memref<100000x128xf32, #tpu.memory_space<hbm>> -> memref<100000x128xf32, #tpu.memory_space<hbm>>
    tpu.enqueue_indirect_dma source(%dma_start3A_8 : memref<100000x128xf32, #tpu.memory_space<hbm>>) target(%arg9 : memref<96x128xf32, #tpu.memory_space<vmem>>) offsets(%dma_start3A_5 : memref<96xi32, #tpu.memory_space<vmem>>) semaphore(%arg14 : memref<!tpu.dma_semaphore, #tpu.memory_space<semaphore_mem>>)
    %dma_start3A_9 = arith.constant 0 : i32
    %dma_start3A_10 = arith.constant 0 : i32
    %dma_start3A_11 = tpu.memref_slice %arg8[%dma_start3A_9, %dma_start3A_10] : memref<32x96xi32, #tpu.memory_space<vmem>> -> memref<1x96xi32, #tpu.memory_space<vmem>>
    %dma_start3A_12 = tpu.memref_squeeze %dma_start3A_11 : memref<1x96xi32, #tpu.memory_space<vmem>> -> memref<96xi32, #tpu.memory_space<vmem>>
    %dma_start3A_13 = arith.constant 0 : i32
    %dma_start3A_14 = arith.constant 0 : i32
    %dma_start3A_15 = tpu.memref_slice %arg3[%dma_start3A_13, %dma_start3A_14] : memref<100000x16xf32, #tpu.memory_space<hbm>> -> memref<100000x16xf32, #tpu.memory_space<hbm>>
    tpu.enqueue_indirect_dma source(%dma_start3A_15 : memref<100000x16xf32, #tpu.memory_space<hbm>>) target(%arg11 : memref<96x16xf32, #tpu.memory_space<vmem>>) offsets(%dma_start3A_12 : memref<96xi32, #tpu.memory_space<vmem>>) semaphore(%arg16 : memref<!tpu.dma_semaphore, #tpu.memory_space<semaphore_mem>>)
    %scan3A = arith.constant 0 : i32
    %scan3A_16 = arith.constant 0 : i32
    %scan3A_17 = arith.constant 16 : i32
    %scan3A_18 = arith.addi %scan3A_16, %scan3A_17 : i32
    %scan3A_19 = arith.constant 1 : i32
    scf.for %scan3A_21 = %scan3A_16 to %scan3A_18 step %scan3A_19  : i32 {
      %mul3A_22 = arith.constant 2 : i32
      %mul3A_23 = arith.muli %mul3A_22, %scan3A_21 : i32
      %mul3A_24 = arith.constant 2 : i32
      %mul3A_25 = arith.muli %mul3A_24, %scan3A_21 : i32
      %add3A_26 = arith.constant 1 : i32
      %add3A_27 = arith.addi %mul3A_25, %add3A_26 : i32
      %dma_start3A_28 = arith.constant 0 : i32
      %dma_start3A_29 = tpu.memref_slice %arg7[%add3A_27, %dma_start3A_28] : memref<32x96xi32, #tpu.memory_space<vmem>> -> memref<1x96xi32, #tpu.memory_space<vmem>>
      %dma_start3A_30 = tpu.memref_squeeze %dma_start3A_29 : memref<1x96xi32, #tpu.memory_space<vmem>> -> memref<96xi32, #tpu.memory_space<vmem>>
      %dma_start3A_31 = arith.constant 0 : i32
      %dma_start3A_32 = arith.constant 0 : i32
      %dma_start3A_33 = tpu.memref_slice %arg2[%dma_start3A_31, %dma_start3A_32] : memref<100000x128xf32, #tpu.memory_space<hbm>> -> memref<100000x128xf32, #tpu.memory_space<hbm>>
      tpu.enqueue_indirect_dma source(%dma_start3A_33 : memref<100000x128xf32, #tpu.memory_space<hbm>>) target(%arg10 : memref<96x128xf32, #tpu.memory_space<vmem>>) offsets(%dma_start3A_30 : memref<96xi32, #tpu.memory_space<vmem>>) semaphore(%arg15 : memref<!tpu.dma_semaphore, #tpu.memory_space<semaphore_mem>>)
      %dma_start3A_34 = arith.constant 0 : i32
      %dma_start3A_35 = tpu.memref_slice %arg8[%add3A_27, %dma_start3A_34] : memref<32x96xi32, #tpu.memory_space<vmem>> -> memref<1x96xi32, #tpu.memory_space<vmem>>
      %dma_start3A_36 = tpu.memref_squeeze %dma_start3A_35 : memref<1x96xi32, #tpu.memory_space<vmem>> -> memref<96xi32, #tpu.memory_space<vmem>>
      %dma_start3A_37 = arith.constant 0 : i32
      %dma_start3A_38 = arith.constant 0 : i32
      %dma_start3A_39 = tpu.memref_slice %arg3[%dma_start3A_37, %dma_start3A_38] : memref<100000x16xf32, #tpu.memory_space<hbm>> -> memref<100000x16xf32, #tpu.memory_space<hbm>>
      tpu.enqueue_indirect_dma source(%dma_start3A_39 : memref<100000x16xf32, #tpu.memory_space<hbm>>) target(%arg12 : memref<96x16xf32, #tpu.memory_space<vmem>>) offsets(%dma_start3A_36 : memref<96xi32, #tpu.memory_space<vmem>>) semaphore(%arg17 : memref<!tpu.dma_semaphore, #tpu.memory_space<semaphore_mem>>)
      %dma_wait3A = arith.constant 0 : i32
      %dma_wait3A_40 = tpu.memref_slice %arg7[%mul3A_23, %dma_wait3A] : memref<32x96xi32, #tpu.memory_space<vmem>> -> memref<1x96xi32, #tpu.memory_space<vmem>>
      %dma_wait3A_41 = tpu.memref_squeeze %dma_wait3A_40 : memref<1x96xi32, #tpu.memory_space<vmem>> -> memref<96xi32, #tpu.memory_space<vmem>>
      %dma_wait3A_42 = arith.constant 0 : i32
      %dma_wait3A_43 = arith.constant 0 : i32
      %dma_wait3A_44 = tpu.memref_slice %arg2[%dma_wait3A_42, %dma_wait3A_43] : memref<100000x128xf32, #tpu.memory_space<hbm>> -> memref<100000x128xf32, #tpu.memory_space<hbm>>
      tpu.wait_indirect_dma semaphore(%arg14 : memref<!tpu.dma_semaphore, #tpu.memory_space<semaphore_mem>>) src(%dma_wait3A_44 : memref<100000x128xf32, #tpu.memory_space<hbm>>) dst(%arg9 : memref<96x128xf32, #tpu.memory_space<vmem>>)
      %dma_wait3A_45 = arith.constant 0 : i32
      %dma_wait3A_46 = tpu.memref_slice %arg8[%mul3A_23, %dma_wait3A_45] : memref<32x96xi32, #tpu.memory_space<vmem>> -> memref<1x96xi32, #tpu.memory_space<vmem>>
      %dma_wait3A_47 = tpu.memref_squeeze %dma_wait3A_46 : memref<1x96xi32, #tpu.memory_space<vmem>> -> memref<96xi32, #tpu.memory_space<vmem>>
      %dma_wait3A_48 = arith.constant 0 : i32
      %dma_wait3A_49 = arith.constant 0 : i32
      %dma_wait3A_50 = tpu.memref_slice %arg3[%dma_wait3A_48, %dma_wait3A_49] : memref<100000x16xf32, #tpu.memory_space<hbm>> -> memref<100000x16xf32, #tpu.memory_space<hbm>>
      tpu.wait_indirect_dma semaphore(%arg16 : memref<!tpu.dma_semaphore, #tpu.memory_space<semaphore_mem>>) src(%dma_wait3A_50 : memref<100000x16xf32, #tpu.memory_space<hbm>>) dst(%arg11 : memref<96x16xf32, #tpu.memory_space<vmem>>)
      %broadcast_in_dim3A = arith.constant 0.000000e+00 : f32
      %broadcast_in_dim3A_51 = vector.broadcast %broadcast_in_dim3A : f32 to vector<16xf32>
      %broadcast_in_dim3A_52 = arith.constant 0.000000e+00 : f32
      %broadcast_in_dim3A_53 = vector.broadcast %broadcast_in_dim3A_52 : f32 to vector<16xf32>
      %broadcast_in_dim3A_54 = arith.constant 0.000000e+00 : f32
      %broadcast_in_dim3A_55 = vector.broadcast %broadcast_in_dim3A_54 : f32 to vector<16xf32>
      %broadcast_in_dim3A_56 = arith.constant 0.000000e+00 : f32
      %broadcast_in_dim3A_57 = vector.broadcast %broadcast_in_dim3A_56 : f32 to vector<16xf32>
      %broadcast_in_dim3A_58 = arith.constant 0.000000e+00 : f32
      %broadcast_in_dim3A_59 = vector.broadcast %broadcast_in_dim3A_58 : f32 to vector<16xf32>
      %broadcast_in_dim3A_60 = arith.constant 0.000000e+00 : f32
      %broadcast_in_dim3A_61 = vector.broadcast %broadcast_in_dim3A_60 : f32 to vector<16xf32>
      %broadcast_in_dim3A_62 = arith.constant 0.000000e+00 : f32
      %broadcast_in_dim3A_63 = vector.broadcast %broadcast_in_dim3A_62 : f32 to vector<16xf32>
      %broadcast_in_dim3A_64 = arith.constant 0.000000e+00 : f32
      %broadcast_in_dim3A_65 = vector.broadcast %broadcast_in_dim3A_64 : f32 to vector<16xf32>
      %broadcast_in_dim3A_66 = arith.constant 0.000000e+00 : f32
      %broadcast_in_dim3A_67 = vector.broadcast %broadcast_in_dim3A_66 : f32 to vector<16xf32>
      %broadcast_in_dim3A_68 = arith.constant 0.000000e+00 : f32
      %broadcast_in_dim3A_69 = vector.broadcast %broadcast_in_dim3A_68 : f32 to vector<16xf32>
      %broadcast_in_dim3A_70 = arith.constant 0.000000e+00 : f32
      %broadcast_in_dim3A_71 = vector.broadcast %broadcast_in_dim3A_70 : f32 to vector<16xf32>
      %broadcast_in_dim3A_72 = arith.constant 0.000000e+00 : f32
      %broadcast_in_dim3A_73 = vector.broadcast %broadcast_in_dim3A_72 : f32 to vector<16xf32>
      %broadcast_in_dim3A_74 = arith.constant 0.000000e+00 : f32
      %broadcast_in_dim3A_75 = vector.broadcast %broadcast_in_dim3A_74 : f32 to vector<16xf32>
      %broadcast_in_dim3A_76 = arith.constant 0.000000e+00 : f32
      %broadcast_in_dim3A_77 = vector.broadcast %broadcast_in_dim3A_76 : f32 to vector<16xf32>
      %broadcast_in_dim3A_78 = arith.constant 0.000000e+00 : f32
      %broadcast_in_dim3A_79 = vector.broadcast %broadcast_in_dim3A_78 : f32 to vector<16xf32>
      %broadcast_in_dim3A_80 = arith.constant 0.000000e+00 : f32
      %broadcast_in_dim3A_81 = vector.broadcast %broadcast_in_dim3A_80 : f32 to vector<16xf32>
      %broadcast_in_dim3A_82 = arith.constant 0.000000e+00 : f32
      %broadcast_in_dim3A_83 = vector.broadcast %broadcast_in_dim3A_82 : f32 to vector<16xf32>
      %broadcast_in_dim3A_84 = arith.constant 0.000000e+00 : f32
      %broadcast_in_dim3A_85 = vector.broadcast %broadcast_in_dim3A_84 : f32 to vector<16xf32>
      %broadcast_in_dim3A_86 = arith.constant 0.000000e+00 : f32
      %broadcast_in_dim3A_87 = vector.broadcast %broadcast_in_dim3A_86 : f32 to vector<16xf32>
      %broadcast_in_dim3A_88 = arith.constant 0.000000e+00 : f32
      %broadcast_in_dim3A_89 = vector.broadcast %broadcast_in_dim3A_88 : f32 to vector<16xf32>
      %broadcast_in_dim3A_90 = arith.constant 0.000000e+00 : f32
      %broadcast_in_dim3A_91 = vector.broadcast %broadcast_in_dim3A_90 : f32 to vector<16xf32>
      %broadcast_in_dim3A_92 = arith.constant 0.000000e+00 : f32
      %broadcast_in_dim3A_93 = vector.broadcast %broadcast_in_dim3A_92 : f32 to vector<16xf32>
      %broadcast_in_dim3A_94 = arith.constant 0.000000e+00 : f32
      %broadcast_in_dim3A_95 = vector.broadcast %broadcast_in_dim3A_94 : f32 to vector<16xf32>
      %broadcast_in_dim3A_96 = arith.constant 0.000000e+00 : f32
      %broadcast_in_dim3A_97 = vector.broadcast %broadcast_in_dim3A_96 : f32 to vector<16xf32>
      %broadcast_in_dim3A_98 = arith.constant 0.000000e+00 : f32
      %broadcast_in_dim3A_99 = vector.broadcast %broadcast_in_dim3A_98 : f32 to vector<16xf32>
      %broadcast_in_dim3A_100 = arith.constant 0.000000e+00 : f32
      %broadcast_in_dim3A_101 = vector.broadcast %broadcast_in_dim3A_100 : f32 to vector<16xf32>
      %broadcast_in_dim3A_102 = arith.constant 0.000000e+00 : f32
      %broadcast_in_dim3A_103 = vector.broadcast %broadcast_in_dim3A_102 : f32 to vector<16xf32>
      %broadcast_in_dim3A_104 = arith.constant 0.000000e+00 : f32
      %broadcast_in_dim3A_105 = vector.broadcast %broadcast_in_dim3A_104 : f32 to vector<16xf32>
      %broadcast_in_dim3A_106 = arith.constant 0.000000e+00 : f32
      %broadcast_in_dim3A_107 = vector.broadcast %broadcast_in_dim3A_106 : f32 to vector<16xf32>
      %broadcast_in_dim3A_108 = arith.constant 0.000000e+00 : f32
      %broadcast_in_dim3A_109 = vector.broadcast %broadcast_in_dim3A_108 : f32 to vector<16xf32>
      %broadcast_in_dim3A_110 = arith.constant 0.000000e+00 : f32
      %broadcast_in_dim3A_111 = vector.broadcast %broadcast_in_dim3A_110 : f32 to vector<16xf32>
      %broadcast_in_dim3A_112 = arith.constant 0.000000e+00 : f32
      %broadcast_in_dim3A_113 = vector.broadcast %broadcast_in_dim3A_112 : f32 to vector<16xf32>
      %scan3A_114 = arith.constant 0 : i32
      %scan3A_115 = arith.constant 96 : i32
      %scan3A_116 = arith.addi %scan3A_114, %scan3A_115 : i32
      %scan3A_117 = arith.constant 1 : i32
      %scan3A_118:32 = scf.for %scan3A_463 = %scan3A_114 to %scan3A_116 step %scan3A_117 iter_args(%scan3A_464 = %broadcast_in_dim3A_51, %scan3A_465 = %broadcast_in_dim3A_53, %scan3A_466 = %broadcast_in_dim3A_55, %scan3A_467 = %broadcast_in_dim3A_57, %scan3A_468 = %broadcast_in_dim3A_59, %scan3A_469 = %broadcast_in_dim3A_61, %scan3A_470 = %broadcast_in_dim3A_63, %scan3A_471 = %broadcast_in_dim3A_65, %scan3A_472 = %broadcast_in_dim3A_67, %scan3A_473 = %broadcast_in_dim3A_69, %scan3A_474 = %broadcast_in_dim3A_71, %scan3A_475 = %broadcast_in_dim3A_73, %scan3A_476 = %broadcast_in_dim3A_75, %scan3A_477 = %broadcast_in_dim3A_77, %scan3A_478 = %broadcast_in_dim3A_79, %scan3A_479 = %broadcast_in_dim3A_81, %scan3A_480 = %broadcast_in_dim3A_83, %scan3A_481 = %broadcast_in_dim3A_85, %scan3A_482 = %broadcast_in_dim3A_87, %scan3A_483 = %broadcast_in_dim3A_89, %scan3A_484 = %broadcast_in_dim3A_91, %scan3A_485 = %broadcast_in_dim3A_93, %scan3A_486 = %broadcast_in_dim3A_95, %scan3A_487 = %broadcast_in_dim3A_97, %scan3A_488 = %broadcast_in_dim3A_99, %scan3A_489 = %broadcast_in_dim3A_101, %scan3A_490 = %broadcast_in_dim3A_103, %scan3A_491 = %broadcast_in_dim3A_105, %scan3A_492 = %broadcast_in_dim3A_107, %scan3A_493 = %broadcast_in_dim3A_109, %scan3A_494 = %broadcast_in_dim3A_111, %scan3A_495 = %broadcast_in_dim3A_113) -> (vector<16xf32>, vector<16xf32>, vector<16xf32>, vector<16xf32>, vector<16xf32>, vector<16xf32>, vector<16xf32>, vector<16xf32>, vector<16xf32>, vector<16xf32>, vector<16xf32>, vector<16xf32>, vector<16xf32>, vector<16xf32>, vector<16xf32>, vector<16xf32>, vector<16xf32>, vector<16xf32>, vector<16xf32>, vector<16xf32>, vector<16xf32>, vector<16xf32>, vector<16xf32>, vector<16xf32>, vector<16xf32>, vector<16xf32>, vector<16xf32>, vector<16xf32>, vector<16xf32>, vector<16xf32>, vector<16xf32>, vector<16xf32>)  : i32 {
        %get3A = arith.index_cast %scan3A_463 : i32 to index
        %get3A_496 = arith.constant 0 : index
        %get3A_497 = tpu.vector_load %arg11[%get3A, %get3A_496] {strides = array<i32>} : memref<96x16xf32, #tpu.memory_space<vmem>>, vector<1x16xf32>,
        %get3A_498 = vector.shape_cast %get3A_497 : vector<1x16xf32> to vector<16xf32>
        %broadcast_in_dim3A_499 = arith.constant 0 : i32
        %broadcast_in_dim3A_500 = vector.broadcast %broadcast_in_dim3A_499 : i32 to vector<16x1xi32>
        %gather3A = vector.shape_cast %broadcast_in_dim3A_500 : vector<16x1xi32> to vector<16xi32>
        %gather3A_501 = tpu.dynamic_gather %get3A_498[%gather3A] in [0] : vector<16xf32>, vector<16xi32> -> vector<16xf32>
        %broadcast_in_dim3A_502 = arith.constant 1 : i32
        %broadcast_in_dim3A_503 = vector.broadcast %broadcast_in_dim3A_502 : i32 to vector<16x1xi32>
        %gather3A_504 = vector.shape_cast %broadcast_in_dim3A_503 : vector<16x1xi32> to vector<16xi32>
        %gather3A_505 = tpu.dynamic_gather %get3A_498[%gather3A_504] in [0] : vector<16xf32>, vector<16xi32> -> vector<16xf32>
        %broadcast_in_dim3A_506 = arith.constant 2 : i32
        %broadcast_in_dim3A_507 = vector.broadcast %broadcast_in_dim3A_506 : i32 to vector<16x1xi32>
        %gather3A_508 = vector.shape_cast %broadcast_in_dim3A_507 : vector<16x1xi32> to vector<16xi32>
        %gather3A_509 = tpu.dynamic_gather %get3A_498[%gather3A_508] in [0] : vector<16xf32>, vector<16xi32> -> vector<16xf32>
        %broadcast_in_dim3A_510 = arith.constant 3 : i32
        %broadcast_in_dim3A_511 = vector.broadcast %broadcast_in_dim3A_510 : i32 to vector<16x1xi32>
        %gather3A_512 = vector.shape_cast %broadcast_in_dim3A_511 : vector<16x1xi32> to vector<16xi32>
        %gather3A_513 = tpu.dynamic_gather %get3A_498[%gather3A_512] in [0] : vector<16xf32>, vector<16xi32> -> vector<16xf32>
        %get3A_514 = arith.index_cast %scan3A_463 : i32 to index
        %get3A_515 = arith.constant 0 : index
        %get3A_516 = tpu.vector_load %arg9[%get3A_514, %get3A_515] {strides = array<i32>} : memref<96x128xf32, #tpu.memory_space<vmem>>, vector<1x16xf32>,
        %get3A_517 = vector.shape_cast %get3A_516 : vector<1x16xf32> to vector<16xf32>
        %mul3A_518 = arith.mulf %gather3A_501, %get3A_517 : vector<16xf32>
        %add3A_519 = arith.addf %scan3A_464, %mul3A_518 : vector<16xf32>
        %mul3A_520 = arith.mulf %gather3A_505, %get3A_517 : vector<16xf32>
        %add3A_521 = arith.addf %scan3A_472, %mul3A_520 : vector<16xf32>
        %mul3A_522 = arith.mulf %gather3A_509, %get3A_517 : vector<16xf32>
        %add3A_523 = arith.addf %scan3A_480, %mul3A_522 : vector<16xf32>
        %mul3A_524 = arith.mulf %gather3A_513, %get3A_517 : vector<16xf32>
        %add3A_525 = arith.addf %scan3A_488, %mul3A_524 : vector<16xf32>
        %get3A_526 = arith.index_cast %scan3A_463 : i32 to index
        %get3A_527 = arith.constant 16 : index
        %get3A_528 = tpu.vector_load %arg9[%get3A_526, %get3A_527] {strides = array<i32>} : memref<96x128xf32, #tpu.memory_space<vmem>>, vector<1x16xf32>,
        %get3A_529 = vector.shape_cast %get3A_528 : vector<1x16xf32> to vector<16xf32>
        %mul3A_530 = arith.mulf %gather3A_501, %get3A_529 : vector<16xf32>
        %add3A_531 = arith.addf %scan3A_465, %mul3A_530 : vector<16xf32>
        %mul3A_532 = arith.mulf %gather3A_505, %get3A_529 : vector<16xf32>
        %add3A_533 = arith.addf %scan3A_473, %mul3A_532 : vector<16xf32>
        %mul3A_534 = arith.mulf %gather3A_509, %get3A_529 : vector<16xf32>
        %add3A_535 = arith.addf %scan3A_481, %mul3A_534 : vector<16xf32>
        %mul3A_536 = arith.mulf %gather3A_513, %get3A_529 : vector<16xf32>
        %add3A_537 = arith.addf %scan3A_489, %mul3A_536 : vector<16xf32>
        %get3A_538 = arith.index_cast %scan3A_463 : i32 to index
        %get3A_539 = arith.constant 32 : index
        %get3A_540 = tpu.vector_load %arg9[%get3A_538, %get3A_539] {strides = array<i32>} : memref<96x128xf32, #tpu.memory_space<vmem>>, vector<1x16xf32>,
        %get3A_541 = vector.shape_cast %get3A_540 : vector<1x16xf32> to vector<16xf32>
        %mul3A_542 = arith.mulf %gather3A_501, %get3A_541 : vector<16xf32>
        %add3A_543 = arith.addf %scan3A_466, %mul3A_542 : vector<16xf32>
        %mul3A_544 = arith.mulf %gather3A_505, %get3A_541 : vector<16xf32>
        %add3A_545 = arith.addf %scan3A_474, %mul3A_544 : vector<16xf32>
        %mul3A_546 = arith.mulf %gather3A_509, %get3A_541 : vector<16xf32>
        %add3A_547 = arith.addf %scan3A_482, %mul3A_546 : vector<16xf32>
        %mul3A_548 = arith.mulf %gather3A_513, %get3A_541 : vector<16xf32>
        %add3A_549 = arith.addf %scan3A_490, %mul3A_548 : vector<16xf32>
        %get3A_550 = arith.index_cast %scan3A_463 : i32 to index
        %get3A_551 = arith.constant 48 : index
        %get3A_552 = tpu.vector_load %arg9[%get3A_550, %get3A_551] {strides = array<i32>} : memref<96x128xf32, #tpu.memory_space<vmem>>, vector<1x16xf32>,
        %get3A_553 = vector.shape_cast %get3A_552 : vector<1x16xf32> to vector<16xf32>
        %mul3A_554 = arith.mulf %gather3A_501, %get3A_553 : vector<16xf32>
        %add3A_555 = arith.addf %scan3A_467, %mul3A_554 : vector<16xf32>
        %mul3A_556 = arith.mulf %gather3A_505, %get3A_553 : vector<16xf32>
        %add3A_557 = arith.addf %scan3A_475, %mul3A_556 : vector<16xf32>
        %mul3A_558 = arith.mulf %gather3A_509, %get3A_553 : vector<16xf32>
        %add3A_559 = arith.addf %scan3A_483, %mul3A_558 : vector<16xf32>
        %mul3A_560 = arith.mulf %gather3A_513, %get3A_553 : vector<16xf32>
        %add3A_561 = arith.addf %scan3A_491, %mul3A_560 : vector<16xf32>
        %get3A_562 = arith.index_cast %scan3A_463 : i32 to index
        %get3A_563 = arith.constant 64 : index
        %get3A_564 = tpu.vector_load %arg9[%get3A_562, %get3A_563] {strides = array<i32>} : memref<96x128xf32, #tpu.memory_space<vmem>>, vector<1x16xf32>,
        %get3A_565 = vector.shape_cast %get3A_564 : vector<1x16xf32> to vector<16xf32>
        %mul3A_566 = arith.mulf %gather3A_501, %get3A_565 : vector<16xf32>
        %add3A_567 = arith.addf %scan3A_468, %mul3A_566 : vector<16xf32>
        %mul3A_568 = arith.mulf %gather3A_505, %get3A_565 : vector<16xf32>
        %add3A_569 = arith.addf %scan3A_476, %mul3A_568 : vector<16xf32>
        %mul3A_570 = arith.mulf %gather3A_509, %get3A_565 : vector<16xf32>
        %add3A_571 = arith.addf %scan3A_484, %mul3A_570 : vector<16xf32>
        %mul3A_572 = arith.mulf %gather3A_513, %get3A_565 : vector<16xf32>
        %add3A_573 = arith.addf %scan3A_492, %mul3A_572 : vector<16xf32>
        %get3A_574 = arith.index_cast %scan3A_463 : i32 to index
        %get3A_575 = arith.constant 80 : index
        %get3A_576 = tpu.vector_load %arg9[%get3A_574, %get3A_575] {strides = array<i32>} : memref<96x128xf32, #tpu.memory_space<vmem>>, vector<1x16xf32>,
        %get3A_577 = vector.shape_cast %get3A_576 : vector<1x16xf32> to vector<16xf32>
        %mul3A_578 = arith.mulf %gather3A_501, %get3A_577 : vector<16xf32>
        %add3A_579 = arith.addf %scan3A_469, %mul3A_578 : vector<16xf32>
        %mul3A_580 = arith.mulf %gather3A_505, %get3A_577 : vector<16xf32>
        %add3A_581 = arith.addf %scan3A_477, %mul3A_580 : vector<16xf32>
        %mul3A_582 = arith.mulf %gather3A_509, %get3A_577 : vector<16xf32>
        %add3A_583 = arith.addf %scan3A_485, %mul3A_582 : vector<16xf32>
        %mul3A_584 = arith.mulf %gather3A_513, %get3A_577 : vector<16xf32>
        %add3A_585 = arith.addf %scan3A_493, %mul3A_584 : vector<16xf32>
        %get3A_586 = arith.index_cast %scan3A_463 : i32 to index
        %get3A_587 = arith.constant 96 : index
        %get3A_588 = tpu.vector_load %arg9[%get3A_586, %get3A_587] {strides = array<i32>} : memref<96x128xf32, #tpu.memory_space<vmem>>, vector<1x16xf32>,
        %get3A_589 = vector.shape_cast %get3A_588 : vector<1x16xf32> to vector<16xf32>
        %mul3A_590 = arith.mulf %gather3A_501, %get3A_589 : vector<16xf32>
        %add3A_591 = arith.addf %scan3A_470, %mul3A_590 : vector<16xf32>
        %mul3A_592 = arith.mulf %gather3A_505, %get3A_589 : vector<16xf32>
        %add3A_593 = arith.addf %scan3A_478, %mul3A_592 : vector<16xf32>
        %mul3A_594 = arith.mulf %gather3A_509, %get3A_589 : vector<16xf32>
        %add3A_595 = arith.addf %scan3A_486, %mul3A_594 : vector<16xf32>
        %mul3A_596 = arith.mulf %gather3A_513, %get3A_589 : vector<16xf32>
        %add3A_597 = arith.addf %scan3A_494, %mul3A_596 : vector<16xf32>
        %get3A_598 = arith.index_cast %scan3A_463 : i32 to index
        %get3A_599 = arith.constant 112 : index
        %get3A_600 = tpu.vector_load %arg9[%get3A_598, %get3A_599] {strides = array<i32>} : memref<96x128xf32, #tpu.memory_space<vmem>>, vector<1x16xf32>,
        %get3A_601 = vector.shape_cast %get3A_600 : vector<1x16xf32> to vector<16xf32>
        %mul3A_602 = arith.mulf %gather3A_501, %get3A_601 : vector<16xf32>
        %add3A_603 = arith.addf %scan3A_471, %mul3A_602 : vector<16xf32>
        %mul3A_604 = arith.mulf %gather3A_505, %get3A_601 : vector<16xf32>
        %add3A_605 = arith.addf %scan3A_479, %mul3A_604 : vector<16xf32>
        %mul3A_606 = arith.mulf %gather3A_509, %get3A_601 : vector<16xf32>
        %add3A_607 = arith.addf %scan3A_487, %mul3A_606 : vector<16xf32>
        %mul3A_608 = arith.mulf %gather3A_513, %get3A_601 : vector<16xf32>
        %add3A_609 = arith.addf %scan3A_495, %mul3A_608 : vector<16xf32>
        scf.yield %add3A_519, %add3A_531, %add3A_543, %add3A_555, %add3A_567, %add3A_579, %add3A_591, %add3A_603, %add3A_521, %add3A_533, %add3A_545, %add3A_557, %add3A_569, %add3A_581, %add3A_593, %add3A_605, %add3A_523, %add3A_535, %add3A_547, %add3A_559, %add3A_571, %add3A_583, %add3A_595, %add3A_607, %add3A_525, %add3A_537, %add3A_549, %add3A_561, %add3A_573, %add3A_585, %add3A_597, %add3A_609 : vector<16xf32>, vector<16xf32>, vector<16xf32>, vector<16xf32>, vector<16xf32>, vector<16xf32>, vector<16xf32>, vector<16xf32>, vector<16xf32>, vector<16xf32>, vector<16xf32>, vector<16xf32>, vector<16xf32>, vector<16xf32>, vector<16xf32>, vector<16xf32>, vector<16xf32>, vector<16xf32>, vector<16xf32>, vector<16xf32>, vector<16xf32>, vector<16xf32>, vector<16xf32>, vector<16xf32>, vector<16xf32>, vector<16xf32>, vector<16xf32>, vector<16xf32>, vector<16xf32>, vector<16xf32>, vector<16xf32>, vector<16xf32>
      }
      %scan3A_119 = arith.constant 96 : i32
      %swap3A = arith.constant 0 : index
      %swap3A_120 = tpu.vector_load %arg13[%swap3A] {strides = array<i32>} : memref<512xf32, #tpu.memory_space<vmem>>, vector<16xf32>,
      %swap3A_121 = vector.shape_cast %swap3A_120 : vector<16xf32> to vector<16xf32>
      %swap3A_122 = vector.shape_cast %scan3A_118#0 : vector<16xf32> to vector<16xf32>
      tpu.vector_store %arg13[%swap3A], %swap3A_122 {strides = array<i32>} : memref<512xf32, #tpu.memory_space<vmem>>, vector<16xf32>,
      %swap3A_123 = arith.constant 16 : index
      %swap3A_124 = tpu.vector_load %arg13[%swap3A_123] {strides = array<i32>} : memref<512xf32, #tpu.memory_space<vmem>>, vector<16xf32>,
      %swap3A_125 = vector.shape_cast %swap3A_124 : vector<16xf32> to vector<16xf32>
      %swap3A_126 = vector.shape_cast %scan3A_118#1 : vector<16xf32> to vector<16xf32>
      tpu.vector_store %arg13[%swap3A_123], %swap3A_126 {strides = array<i32>} : memref<512xf32, #tpu.memory_space<vmem>>, vector<16xf32>,
      %swap3A_127 = arith.constant 32 : index
      %swap3A_128 = tpu.vector_load %arg13[%swap3A_127] {strides = array<i32>} : memref<512xf32, #tpu.memory_space<vmem>>, vector<16xf32>,
      %swap3A_129 = vector.shape_cast %swap3A_128 : vector<16xf32> to vector<16xf32>
      %swap3A_130 = vector.shape_cast %scan3A_118#2 : vector<16xf32> to vector<16xf32>
      tpu.vector_store %arg13[%swap3A_127], %swap3A_130 {strides = array<i32>} : memref<512xf32, #tpu.memory_space<vmem>>, vector<16xf32>,
      %swap3A_131 = arith.constant 48 : index
      %swap3A_132 = tpu.vector_load %arg13[%swap3A_131] {strides = array<i32>} : memref<512xf32, #tpu.memory_space<vmem>>, vector<16xf32>,
      %swap3A_133 = vector.shape_cast %swap3A_132 : vector<16xf32> to vector<16xf32>
      %swap3A_134 = vector.shape_cast %scan3A_118#3 : vector<16xf32> to vector<16xf32>
      tpu.vector_store %arg13[%swap3A_131], %swap3A_134 {strides = array<i32>} : memref<512xf32, #tpu.memory_space<vmem>>, vector<16xf32>,
      %swap3A_135 = arith.constant 64 : index
      %swap3A_136 = tpu.vector_load %arg13[%swap3A_135] {strides = array<i32>} : memref<512xf32, #tpu.memory_space<vmem>>, vector<16xf32>,
      %swap3A_137 = vector.shape_cast %swap3A_136 : vector<16xf32> to vector<16xf32>
      %swap3A_138 = vector.shape_cast %scan3A_118#4 : vector<16xf32> to vector<16xf32>
      tpu.vector_store %arg13[%swap3A_135], %swap3A_138 {strides = array<i32>} : memref<512xf32, #tpu.memory_space<vmem>>, vector<16xf32>,
      %swap3A_139 = arith.constant 80 : index
      %swap3A_140 = tpu.vector_load %arg13[%swap3A_139] {strides = array<i32>} : memref<512xf32, #tpu.memory_space<vmem>>, vector<16xf32>,
      %swap3A_141 = vector.shape_cast %swap3A_140 : vector<16xf32> to vector<16xf32>
      %swap3A_142 = vector.shape_cast %scan3A_118#5 : vector<16xf32> to vector<16xf32>
      tpu.vector_store %arg13[%swap3A_139], %swap3A_142 {strides = array<i32>} : memref<512xf32, #tpu.memory_space<vmem>>, vector<16xf32>,
      %swap3A_143 = arith.constant 96 : index
      %swap3A_144 = tpu.vector_load %arg13[%swap3A_143] {strides = array<i32>} : memref<512xf32, #tpu.memory_space<vmem>>, vector<16xf32>,
      %swap3A_145 = vector.shape_cast %swap3A_144 : vector<16xf32> to vector<16xf32>
      %swap3A_146 = vector.shape_cast %scan3A_118#6 : vector<16xf32> to vector<16xf32>
      tpu.vector_store %arg13[%swap3A_143], %swap3A_146 {strides = array<i32>} : memref<512xf32, #tpu.memory_space<vmem>>, vector<16xf32>,
      %swap3A_147 = arith.constant 112 : index
      %swap3A_148 = tpu.vector_load %arg13[%swap3A_147] {strides = array<i32>} : memref<512xf32, #tpu.memory_space<vmem>>, vector<16xf32>,
      %swap3A_149 = vector.shape_cast %swap3A_148 : vector<16xf32> to vector<16xf32>
      %swap3A_150 = vector.shape_cast %scan3A_118#7 : vector<16xf32> to vector<16xf32>
      tpu.vector_store %arg13[%swap3A_147], %swap3A_150 {strides = array<i32>} : memref<512xf32, #tpu.memory_space<vmem>>, vector<16xf32>,
      %swap3A_151 = arith.constant 128 : index
      %swap3A_152 = tpu.vector_load %arg13[%swap3A_151] {strides = array<i32>} : memref<512xf32, #tpu.memory_space<vmem>>, vector<16xf32>,
      %swap3A_153 = vector.shape_cast %swap3A_152 : vector<16xf32> to vector<16xf32>
      %swap3A_154 = vector.shape_cast %scan3A_118#8 : vector<16xf32> to vector<16xf32>
      tpu.vector_store %arg13[%swap3A_151], %swap3A_154 {strides = array<i32>} : memref<512xf32, #tpu.memory_space<vmem>>, vector<16xf32>,
      %swap3A_155 = arith.constant 144 : index
      %swap3A_156 = tpu.vector_load %arg13[%swap3A_155] {strides = array<i32>} : memref<512xf32, #tpu.memory_space<vmem>>, vector<16xf32>,
      %swap3A_157 = vector.shape_cast %swap3A_156 : vector<16xf32> to vector<16xf32>
      %swap3A_158 = vector.shape_cast %scan3A_118#9 : vector<16xf32> to vector<16xf32>
      tpu.vector_store %arg13[%swap3A_155], %swap3A_158 {strides = array<i32>} : memref<512xf32, #tpu.memory_space<vmem>>, vector<16xf32>,
      %swap3A_159 = arith.constant 160 : index
      %swap3A_160 = tpu.vector_load %arg13[%swap3A_159] {strides = array<i32>} : memref<512xf32, #tpu.memory_space<vmem>>, vector<16xf32>,
      %swap3A_161 = vector.shape_cast %swap3A_160 : vector<16xf32> to vector<16xf32>
      %swap3A_162 = vector.shape_cast %scan3A_118#10 : vector<16xf32> to vector<16xf32>
      tpu.vector_store %arg13[%swap3A_159], %swap3A_162 {strides = array<i32>} : memref<512xf32, #tpu.memory_space<vmem>>, vector<16xf32>,
      %swap3A_163 = arith.constant 176 : index
      %swap3A_164 = tpu.vector_load %arg13[%swap3A_163] {strides = array<i32>} : memref<512xf32, #tpu.memory_space<vmem>>, vector<16xf32>,
      %swap3A_165 = vector.shape_cast %swap3A_164 : vector<16xf32> to vector<16xf32>
      %swap3A_166 = vector.shape_cast %scan3A_118#11 : vector<16xf32> to vector<16xf32>
      tpu.vector_store %arg13[%swap3A_163], %swap3A_166 {strides = array<i32>} : memref<512xf32, #tpu.memory_space<vmem>>, vector<16xf32>,
      %swap3A_167 = arith.constant 192 : index
      %swap3A_168 = tpu.vector_load %arg13[%swap3A_167] {strides = array<i32>} : memref<512xf32, #tpu.memory_space<vmem>>, vector<16xf32>,
      %swap3A_169 = vector.shape_cast %swap3A_168 : vector<16xf32> to vector<16xf32>
      %swap3A_170 = vector.shape_cast %scan3A_118#12 : vector<16xf32> to vector<16xf32>
      tpu.vector_store %arg13[%swap3A_167], %swap3A_170 {strides = array<i32>} : memref<512xf32, #tpu.memory_space<vmem>>, vector<16xf32>,
      %swap3A_171 = arith.constant 208 : index
      %swap3A_172 = tpu.vector_load %arg13[%swap3A_171] {strides = array<i32>} : memref<512xf32, #tpu.memory_space<vmem>>, vector<16xf32>,
      %swap3A_173 = vector.shape_cast %swap3A_172 : vector<16xf32> to vector<16xf32>
      %swap3A_174 = vector.shape_cast %scan3A_118#13 : vector<16xf32> to vector<16xf32>
      tpu.vector_store %arg13[%swap3A_171], %swap3A_174 {strides = array<i32>} : memref<512xf32, #tpu.memory_space<vmem>>, vector<16xf32>,
      %swap3A_175 = arith.constant 224 : index
      %swap3A_176 = tpu.vector_load %arg13[%swap3A_175] {strides = array<i32>} : memref<512xf32, #tpu.memory_space<vmem>>, vector<16xf32>,
      %swap3A_177 = vector.shape_cast %swap3A_176 : vector<16xf32> to vector<16xf32>
      %swap3A_178 = vector.shape_cast %scan3A_118#14 : vector<16xf32> to vector<16xf32>
      tpu.vector_store %arg13[%swap3A_175], %swap3A_178 {strides = array<i32>} : memref<512xf32, #tpu.memory_space<vmem>>, vector<16xf32>,
      %swap3A_179 = arith.constant 240 : index
      %swap3A_180 = tpu.vector_load %arg13[%swap3A_179] {strides = array<i32>} : memref<512xf32, #tpu.memory_space<vmem>>, vector<16xf32>,
      %swap3A_181 = vector.shape_cast %swap3A_180 : vector<16xf32> to vector<16xf32>
      %swap3A_182 = vector.shape_cast %scan3A_118#15 : vector<16xf32> to vector<16xf32>
      tpu.vector_store %arg13[%swap3A_179], %swap3A_182 {strides = array<i32>} : memref<512xf32, #tpu.memory_space<vmem>>, vector<16xf32>,
      %swap3A_183 = arith.constant 256 : index
      %swap3A_184 = tpu.vector_load %arg13[%swap3A_183] {strides = array<i32>} : memref<512xf32, #tpu.memory_space<vmem>>, vector<16xf32>,
      %swap3A_185 = vector.shape_cast %swap3A_184 : vector<16xf32> to vector<16xf32>
      %swap3A_186 = vector.shape_cast %scan3A_118#16 : vector<16xf32> to vector<16xf32>
      tpu.vector_store %arg13[%swap3A_183], %swap3A_186 {strides = array<i32>} : memref<512xf32, #tpu.memory_space<vmem>>, vector<16xf32>,
      %swap3A_187 = arith.constant 272 : index
      %swap3A_188 = tpu.vector_load %arg13[%swap3A_187] {strides = array<i32>} : memref<512xf32, #tpu.memory_space<vmem>>, vector<16xf32>,
      %swap3A_189 = vector.shape_cast %swap3A_188 : vector<16xf32> to vector<16xf32>
      %swap3A_190 = vector.shape_cast %scan3A_118#17 : vector<16xf32> to vector<16xf32>
      tpu.vector_store %arg13[%swap3A_187], %swap3A_190 {strides = array<i32>} : memref<512xf32, #tpu.memory_space<vmem>>, vector<16xf32>,
      %swap3A_191 = arith.constant 288 : index
      %swap3A_192 = tpu.vector_load %arg13[%swap3A_191] {strides = array<i32>} : memref<512xf32, #tpu.memory_space<vmem>>, vector<16xf32>,
      %swap3A_193 = vector.shape_cast %swap3A_192 : vector<16xf32> to vector<16xf32>
      %swap3A_194 = vector.shape_cast %scan3A_118#18 : vector<16xf32> to vector<16xf32>
      tpu.vector_store %arg13[%swap3A_191], %swap3A_194 {strides = array<i32>} : memref<512xf32, #tpu.memory_space<vmem>>, vector<16xf32>,
      %swap3A_195 = arith.constant 304 : index
      %swap3A_196 = tpu.vector_load %arg13[%swap3A_195] {strides = array<i32>} : memref<512xf32, #tpu.memory_space<vmem>>, vector<16xf32>,
      %swap3A_197 = vector.shape_cast %swap3A_196 : vector<16xf32> to vector<16xf32>
      %swap3A_198 = vector.shape_cast %scan3A_118#19 : vector<16xf32> to vector<16xf32>
      tpu.vector_store %arg13[%swap3A_195], %swap3A_198 {strides = array<i32>} : memref<512xf32, #tpu.memory_space<vmem>>, vector<16xf32>,
      %swap3A_199 = arith.constant 320 : index
      %swap3A_200 = tpu.vector_load %arg13[%swap3A_199] {strides = array<i32>} : memref<512xf32, #tpu.memory_space<vmem>>, vector<16xf32>,
      %swap3A_201 = vector.shape_cast %swap3A_200 : vector<16xf32> to vector<16xf32>
      %swap3A_202 = vector.shape_cast %scan3A_118#20 : vector<16xf32> to vector<16xf32>
      tpu.vector_store %arg13[%swap3A_199], %swap3A_202 {strides = array<i32>} : memref<512xf32, #tpu.memory_space<vmem>>, vector<16xf32>,
      %swap3A_203 = arith.constant 336 : index
      %swap3A_204 = tpu.vector_load %arg13[%swap3A_203] {strides = array<i32>} : memref<512xf32, #tpu.memory_space<vmem>>, vector<16xf32>,
      %swap3A_205 = vector.shape_cast %swap3A_204 : vector<16xf32> to vector<16xf32>
      %swap3A_206 = vector.shape_cast %scan3A_118#21 : vector<16xf32> to vector<16xf32>
      tpu.vector_store %arg13[%swap3A_203], %swap3A_206 {strides = array<i32>} : memref<512xf32, #tpu.memory_space<vmem>>, vector<16xf32>,
      %swap3A_207 = arith.constant 352 : index
      %swap3A_208 = tpu.vector_load %arg13[%swap3A_207] {strides = array<i32>} : memref<512xf32, #tpu.memory_space<vmem>>, vector<16xf32>,
      %swap3A_209 = vector.shape_cast %swap3A_208 : vector<16xf32> to vector<16xf32>
      %swap3A_210 = vector.shape_cast %scan3A_118#22 : vector<16xf32> to vector<16xf32>
      tpu.vector_store %arg13[%swap3A_207], %swap3A_210 {strides = array<i32>} : memref<512xf32, #tpu.memory_space<vmem>>, vector<16xf32>,
      %swap3A_211 = arith.constant 368 : index
      %swap3A_212 = tpu.vector_load %arg13[%swap3A_211] {strides = array<i32>} : memref<512xf32, #tpu.memory_space<vmem>>, vector<16xf32>,
      %swap3A_213 = vector.shape_cast %swap3A_212 : vector<16xf32> to vector<16xf32>
      %swap3A_214 = vector.shape_cast %scan3A_118#23 : vector<16xf32> to vector<16xf32>
      tpu.vector_store %arg13[%swap3A_211], %swap3A_214 {strides = array<i32>} : memref<512xf32, #tpu.memory_space<vmem>>, vector<16xf32>,
      %swap3A_215 = arith.constant 384 : index
      %swap3A_216 = tpu.vector_load %arg13[%swap3A_215] {strides = array<i32>} : memref<512xf32, #tpu.memory_space<vmem>>, vector<16xf32>,
      %swap3A_217 = vector.shape_cast %swap3A_216 : vector<16xf32> to vector<16xf32>
      %swap3A_218 = vector.shape_cast %scan3A_118#24 : vector<16xf32> to vector<16xf32>
      tpu.vector_store %arg13[%swap3A_215], %swap3A_218 {strides = array<i32>} : memref<512xf32, #tpu.memory_space<vmem>>, vector<16xf32>,
      %swap3A_219 = arith.constant 400 : index
      %swap3A_220 = tpu.vector_load %arg13[%swap3A_219] {strides = array<i32>} : memref<512xf32, #tpu.memory_space<vmem>>, vector<16xf32>,
      %swap3A_221 = vector.shape_cast %swap3A_220 : vector<16xf32> to vector<16xf32>
      %swap3A_222 = vector.shape_cast %scan3A_118#25 : vector<16xf32> to vector<16xf32>
      tpu.vector_store %arg13[%swap3A_219], %swap3A_222 {strides = array<i32>} : memref<512xf32, #tpu.memory_space<vmem>>, vector<16xf32>,
      %swap3A_223 = arith.constant 416 : index
      %swap3A_224 = tpu.vector_load %arg13[%swap3A_223] {strides = array<i32>} : memref<512xf32, #tpu.memory_space<vmem>>, vector<16xf32>,
      %swap3A_225 = vector.shape_cast %swap3A_224 : vector<16xf32> to vector<16xf32>
      %swap3A_226 = vector.shape_cast %scan3A_118#26 : vector<16xf32> to vector<16xf32>
      tpu.vector_store %arg13[%swap3A_223], %swap3A_226 {strides = array<i32>} : memref<512xf32, #tpu.memory_space<vmem>>, vector<16xf32>,
      %swap3A_227 = arith.constant 432 : index
      %swap3A_228 = tpu.vector_load %arg13[%swap3A_227] {strides = array<i32>} : memref<512xf32, #tpu.memory_space<vmem>>, vector<16xf32>,
      %swap3A_229 = vector.shape_cast %swap3A_228 : vector<16xf32> to vector<16xf32>
      %swap3A_230 = vector.shape_cast %scan3A_118#27 : vector<16xf32> to vector<16xf32>
      tpu.vector_store %arg13[%swap3A_227], %swap3A_230 {strides = array<i32>} : memref<512xf32, #tpu.memory_space<vmem>>, vector<16xf32>,
      %swap3A_231 = arith.constant 448 : index
      %swap3A_232 = tpu.vector_load %arg13[%swap3A_231] {strides = array<i32>} : memref<512xf32, #tpu.memory_space<vmem>>, vector<16xf32>,
      %swap3A_233 = vector.shape_cast %swap3A_232 : vector<16xf32> to vector<16xf32>
      %swap3A_234 = vector.shape_cast %scan3A_118#28 : vector<16xf32> to vector<16xf32>
      tpu.vector_store %arg13[%swap3A_231], %swap3A_234 {strides = array<i32>} : memref<512xf32, #tpu.memory_space<vmem>>, vector<16xf32>,
      %swap3A_235 = arith.constant 464 : index
      %swap3A_236 = tpu.vector_load %arg13[%swap3A_235] {strides = array<i32>} : memref<512xf32, #tpu.memory_space<vmem>>, vector<16xf32>,
      %swap3A_237 = vector.shape_cast %swap3A_236 : vector<16xf32> to vector<16xf32>
      %swap3A_238 = vector.shape_cast %scan3A_118#29 : vector<16xf32> to vector<16xf32>
      tpu.vector_store %arg13[%swap3A_235], %swap3A_238 {strides = array<i32>} : memref<512xf32, #tpu.memory_space<vmem>>, vector<16xf32>,
      %swap3A_239 = arith.constant 480 : index
      %swap3A_240 = tpu.vector_load %arg13[%swap3A_239] {strides = array<i32>} : memref<512xf32, #tpu.memory_space<vmem>>, vector<16xf32>,
      %swap3A_241 = vector.shape_cast %swap3A_240 : vector<16xf32> to vector<16xf32>
      %swap3A_242 = vector.shape_cast %scan3A_118#30 : vector<16xf32> to vector<16xf32>
      tpu.vector_store %arg13[%swap3A_239], %swap3A_242 {strides = array<i32>} : memref<512xf32, #tpu.memory_space<vmem>>, vector<16xf32>,
      %swap3A_243 = arith.constant 496 : index
      %swap3A_244 = tpu.vector_load %arg13[%swap3A_243] {strides = array<i32>} : memref<512xf32, #tpu.memory_space<vmem>>, vector<16xf32>,
      %swap3A_245 = vector.shape_cast %swap3A_244 : vector<16xf32> to vector<16xf32>
      %swap3A_246 = vector.shape_cast %scan3A_118#31 : vector<16xf32> to vector<16xf32>
      tpu.vector_store %arg13[%swap3A_243], %swap3A_246 {strides = array<i32>} : memref<512xf32, #tpu.memory_space<vmem>>, vector<16xf32>,
      %add3A_247 = arith.addi %mul3A_2, %mul3A_23 : i32
      "tpu.region"() ({
        %run_scoped3A = tpu.sem_alloc : memref<!tpu.dma_semaphore, #tpu.memory_space<semaphore_mem>>
        %dma_start3A_463 = arith.constant 0 : i32
        %dma_start3A_464 = tpu.memref_slice %arg6[%add3A_247, %dma_start3A_463] : memref<1024x512xf32, #tpu.memory_space<hbm>> -> memref<1x512xf32, #tpu.memory_space<hbm>>
        %dma_start3A_465 = tpu.memref_squeeze %dma_start3A_464 : memref<1x512xf32, #tpu.memory_space<hbm>> -> memref<512xf32, #tpu.memory_space<hbm>>
        %dma_start3A_466 = arith.constant 0 : i32
        %dma_start3A_467 = tpu.memref_slice %arg6[%add3A_247, %dma_start3A_466] : memref<1024x512xf32, #tpu.memory_space<hbm>> -> memref<1x512xf32, #tpu.memory_space<hbm>>
        %dma_start3A_468 = tpu.memref_squeeze %dma_start3A_467 : memref<1x512xf32, #tpu.memory_space<hbm>> -> memref<512xf32, #tpu.memory_space<hbm>>
        tpu.enqueue_dma source(%arg13 : memref<512xf32, #tpu.memory_space<vmem>>) target(%dma_start3A_468 : memref<512xf32, #tpu.memory_space<hbm>>) target_semaphore(%run_scoped3A : memref<!tpu.dma_semaphore, #tpu.memory_space<semaphore_mem>>)
        %dma_wait3A_469 = arith.constant 0 : i32
        %dma_wait3A_470 = tpu.memref_slice %arg6[%add3A_247, %dma_wait3A_469] : memref<1024x512xf32, #tpu.memory_space<hbm>> -> memref<1x512xf32, #tpu.memory_space<hbm>>
        %dma_wait3A_471 = tpu.memref_squeeze %dma_wait3A_470 : memref<1x512xf32, #tpu.memory_space<hbm>> -> memref<512xf32, #tpu.memory_space<hbm>>
        %dma_wait3A_472 = arith.constant 0 : i32
        %dma_wait3A_473 = tpu.memref_slice %arg6[%add3A_247, %dma_wait3A_472] : memref<1024x512xf32, #tpu.memory_space<hbm>> -> memref<1x512xf32, #tpu.memory_space<hbm>>
        %dma_wait3A_474 = tpu.memref_squeeze %dma_wait3A_473 : memref<1x512xf32, #tpu.memory_space<hbm>> -> memref<512xf32, #tpu.memory_space<hbm>>
        tpu.wait_dma2 semaphore(%run_scoped3A : memref<!tpu.dma_semaphore, #tpu.memory_space<semaphore_mem>>) src(%arg13 : memref<512xf32, #tpu.memory_space<vmem>>) dst(%dma_wait3A_474 : memref<512xf32, #tpu.memory_space<hbm>>)
        tpu.yield
      }) : () -> ()
      %add3A_248 = arith.constant 1 : i32
      %add3A_249 = arith.addi %add3A_27, %add3A_248 : i32
      %lt3A = arith.constant 32 : i32
      %lt3A_250 = arith.cmpi slt, %add3A_249, %lt3A : i32
      %convert_element_type3A = arith.extui %lt3A_250 : i1 to i32
      %cond3A = arith.constant 0 : i32
      %cond3A_251 = arith.cmpi ne, %convert_element_type3A, %cond3A : i32
      scf.if %cond3A_251 {
        %add3A_463 = arith.constant 1 : i32
        %add3A_464 = arith.addi %add3A_27, %add3A_463 : i32
        %dma_start3A_465 = arith.constant 0 : i32
        %dma_start3A_466 = tpu.memref_slice %arg7[%add3A_464, %dma_start3A_465] : memref<32x96xi32, #tpu.memory_space<vmem>> -> memref<1x96xi32, #tpu.memory_space<vmem>>
        %dma_start3A_467 = tpu.memref_squeeze %dma_start3A_466 : memref<1x96xi32, #tpu.memory_space<vmem>> -> memref<96xi32, #tpu.memory_space<vmem>>
        %dma_start3A_468 = arith.constant 0 : i32
        %dma_start3A_469 = arith.constant 0 : i32
        %dma_start3A_470 = tpu.memref_slice %arg2[%dma_start3A_468, %dma_start3A_469] : memref<100000x128xf32, #tpu.memory_space<hbm>> -> memref<100000x128xf32, #tpu.memory_space<hbm>>
        tpu.enqueue_indirect_dma source(%dma_start3A_470 : memref<100000x128xf32, #tpu.memory_space<hbm>>) target(%arg9 : memref<96x128xf32, #tpu.memory_space<vmem>>) offsets(%dma_start3A_467 : memref<96xi32, #tpu.memory_space<vmem>>) semaphore(%arg14 : memref<!tpu.dma_semaphore, #tpu.memory_space<semaphore_mem>>)
        %dma_start3A_471 = arith.constant 0 : i32
        %dma_start3A_472 = tpu.memref_slice %arg8[%add3A_464, %dma_start3A_471] : memref<32x96xi32, #tpu.memory_space<vmem>> -> memref<1x96xi32, #tpu.memory_space<vmem>>
        %dma_start3A_473 = tpu.memref_squeeze %dma_start3A_472 : memref<1x96xi32, #tpu.memory_space<vmem>> -> memref<96xi32, #tpu.memory_space<vmem>>
        %dma_start3A_474 = arith.constant 0 : i32
        %dma_start3A_475 = arith.constant 0 : i32
        %dma_start3A_476 = tpu.memref_slice %arg3[%dma_start3A_474, %dma_start3A_475] : memref<100000x16xf32, #tpu.memory_space<hbm>> -> memref<100000x16xf32, #tpu.memory_space<hbm>>
        tpu.enqueue_indirect_dma source(%dma_start3A_476 : memref<100000x16xf32, #tpu.memory_space<hbm>>) target(%arg11 : memref<96x16xf32, #tpu.memory_space<vmem>>) offsets(%dma_start3A_473 : memref<96xi32, #tpu.memory_space<vmem>>) semaphore(%arg16 : memref<!tpu.dma_semaphore, #tpu.memory_space<semaphore_mem>>)
      } else {
      }
      %dma_wait3A_252 = arith.constant 0 : i32
      %dma_wait3A_253 = tpu.memref_slice %arg7[%add3A_27, %dma_wait3A_252] : memref<32x96xi32, #tpu.memory_space<vmem>> -> memref<1x96xi32, #tpu.memory_space<vmem>>
      %dma_wait3A_254 = tpu.memref_squeeze %dma_wait3A_253 : memref<1x96xi32, #tpu.memory_space<vmem>> -> memref<96xi32, #tpu.memory_space<vmem>>
      %dma_wait3A_255 = arith.constant 0 : i32
      %dma_wait3A_256 = arith.constant 0 : i32
      %dma_wait3A_257 = tpu.memref_slice %arg2[%dma_wait3A_255, %dma_wait3A_256] : memref<100000x128xf32, #tpu.memory_space<hbm>> -> memref<100000x128xf32, #tpu.memory_space<hbm>>
      tpu.wait_indirect_dma semaphore(%arg15 : memref<!tpu.dma_semaphore, #tpu.memory_space<semaphore_mem>>) src(%dma_wait3A_257 : memref<100000x128xf32, #tpu.memory_space<hbm>>) dst(%arg10 : memref<96x128xf32, #tpu.memory_space<vmem>>)
      %dma_wait3A_258 = arith.constant 0 : i32
      %dma_wait3A_259 = tpu.memref_slice %arg8[%add3A_27, %dma_wait3A_258] : memref<32x96xi32, #tpu.memory_space<vmem>> -> memref<1x96xi32, #tpu.memory_space<vmem>>
      %dma_wait3A_260 = tpu.memref_squeeze %dma_wait3A_259 : memref<1x96xi32, #tpu.memory_space<vmem>> -> memref<96xi32, #tpu.memory_space<vmem>>
      %dma_wait3A_261 = arith.constant 0 : i32
      %dma_wait3A_262 = arith.constant 0 : i32
      %dma_wait3A_263 = tpu.memref_slice %arg3[%dma_wait3A_261, %dma_wait3A_262] : memref<100000x16xf32, #tpu.memory_space<hbm>> -> memref<100000x16xf32, #tpu.memory_space<hbm>>
      tpu.wait_indirect_dma semaphore(%arg17 : memref<!tpu.dma_semaphore, #tpu.memory_space<semaphore_mem>>) src(%dma_wait3A_263 : memref<100000x16xf32, #tpu.memory_space<hbm>>) dst(%arg12 : memref<96x16xf32, #tpu.memory_space<vmem>>)
      %broadcast_in_dim3A_264 = arith.constant 0.000000e+00 : f32
      %broadcast_in_dim3A_265 = vector.broadcast %broadcast_in_dim3A_264 : f32 to vector<16xf32>
      %broadcast_in_dim3A_266 = arith.constant 0.000000e+00 : f32
      %broadcast_in_dim3A_267 = vector.broadcast %broadcast_in_dim3A_266 : f32 to vector<16xf32>
      %broadcast_in_dim3A_268 = arith.constant 0.000000e+00 : f32
      %broadcast_in_dim3A_269 = vector.broadcast %broadcast_in_dim3A_268 : f32 to vector<16xf32>
      %broadcast_in_dim3A_270 = arith.constant 0.000000e+00 : f32
      %broadcast_in_dim3A_271 = vector.broadcast %broadcast_in_dim3A_270 : f32 to vector<16xf32>
      %broadcast_in_dim3A_272 = arith.constant 0.000000e+00 : f32
      %broadcast_in_dim3A_273 = vector.broadcast %broadcast_in_dim3A_272 : f32 to vector<16xf32>
      %broadcast_in_dim3A_274 = arith.constant 0.000000e+00 : f32
      %broadcast_in_dim3A_275 = vector.broadcast %broadcast_in_dim3A_274 : f32 to vector<16xf32>
      %broadcast_in_dim3A_276 = arith.constant 0.000000e+00 : f32
      %broadcast_in_dim3A_277 = vector.broadcast %broadcast_in_dim3A_276 : f32 to vector<16xf32>
      %broadcast_in_dim3A_278 = arith.constant 0.000000e+00 : f32
      %broadcast_in_dim3A_279 = vector.broadcast %broadcast_in_dim3A_278 : f32 to vector<16xf32>
      %broadcast_in_dim3A_280 = arith.constant 0.000000e+00 : f32
      %broadcast_in_dim3A_281 = vector.broadcast %broadcast_in_dim3A_280 : f32 to vector<16xf32>
      %broadcast_in_dim3A_282 = arith.constant 0.000000e+00 : f32
      %broadcast_in_dim3A_283 = vector.broadcast %broadcast_in_dim3A_282 : f32 to vector<16xf32>
      %broadcast_in_dim3A_284 = arith.constant 0.000000e+00 : f32
      %broadcast_in_dim3A_285 = vector.broadcast %broadcast_in_dim3A_284 : f32 to vector<16xf32>
      %broadcast_in_dim3A_286 = arith.constant 0.000000e+00 : f32
      %broadcast_in_dim3A_287 = vector.broadcast %broadcast_in_dim3A_286 : f32 to vector<16xf32>
      %broadcast_in_dim3A_288 = arith.constant 0.000000e+00 : f32
      %broadcast_in_dim3A_289 = vector.broadcast %broadcast_in_dim3A_288 : f32 to vector<16xf32>
      %broadcast_in_dim3A_290 = arith.constant 0.000000e+00 : f32
      %broadcast_in_dim3A_291 = vector.broadcast %broadcast_in_dim3A_290 : f32 to vector<16xf32>
      %broadcast_in_dim3A_292 = arith.constant 0.000000e+00 : f32
      %broadcast_in_dim3A_293 = vector.broadcast %broadcast_in_dim3A_292 : f32 to vector<16xf32>
      %broadcast_in_dim3A_294 = arith.constant 0.000000e+00 : f32
      %broadcast_in_dim3A_295 = vector.broadcast %broadcast_in_dim3A_294 : f32 to vector<16xf32>
      %broadcast_in_dim3A_296 = arith.constant 0.000000e+00 : f32
      %broadcast_in_dim3A_297 = vector.broadcast %broadcast_in_dim3A_296 : f32 to vector<16xf32>
      %broadcast_in_dim3A_298 = arith.constant 0.000000e+00 : f32
      %broadcast_in_dim3A_299 = vector.broadcast %broadcast_in_dim3A_298 : f32 to vector<16xf32>
      %broadcast_in_dim3A_300 = arith.constant 0.000000e+00 : f32
      %broadcast_in_dim3A_301 = vector.broadcast %broadcast_in_dim3A_300 : f32 to vector<16xf32>
      %broadcast_in_dim3A_302 = arith.constant 0.000000e+00 : f32
      %broadcast_in_dim3A_303 = vector.broadcast %broadcast_in_dim3A_302 : f32 to vector<16xf32>
      %broadcast_in_dim3A_304 = arith.constant 0.000000e+00 : f32
      %broadcast_in_dim3A_305 = vector.broadcast %broadcast_in_dim3A_304 : f32 to vector<16xf32>
      %broadcast_in_dim3A_306 = arith.constant 0.000000e+00 : f32
      %broadcast_in_dim3A_307 = vector.broadcast %broadcast_in_dim3A_306 : f32 to vector<16xf32>
      %broadcast_in_dim3A_308 = arith.constant 0.000000e+00 : f32
      %broadcast_in_dim3A_309 = vector.broadcast %broadcast_in_dim3A_308 : f32 to vector<16xf32>
      %broadcast_in_dim3A_310 = arith.constant 0.000000e+00 : f32
      %broadcast_in_dim3A_311 = vector.broadcast %broadcast_in_dim3A_310 : f32 to vector<16xf32>
      %broadcast_in_dim3A_312 = arith.constant 0.000000e+00 : f32
      %broadcast_in_dim3A_313 = vector.broadcast %broadcast_in_dim3A_312 : f32 to vector<16xf32>
      %broadcast_in_dim3A_314 = arith.constant 0.000000e+00 : f32
      %broadcast_in_dim3A_315 = vector.broadcast %broadcast_in_dim3A_314 : f32 to vector<16xf32>
      %broadcast_in_dim3A_316 = arith.constant 0.000000e+00 : f32
      %broadcast_in_dim3A_317 = vector.broadcast %broadcast_in_dim3A_316 : f32 to vector<16xf32>
      %broadcast_in_dim3A_318 = arith.constant 0.000000e+00 : f32
      %broadcast_in_dim3A_319 = vector.broadcast %broadcast_in_dim3A_318 : f32 to vector<16xf32>
      %broadcast_in_dim3A_320 = arith.constant 0.000000e+00 : f32
      %broadcast_in_dim3A_321 = vector.broadcast %broadcast_in_dim3A_320 : f32 to vector<16xf32>
      %broadcast_in_dim3A_322 = arith.constant 0.000000e+00 : f32
      %broadcast_in_dim3A_323 = vector.broadcast %broadcast_in_dim3A_322 : f32 to vector<16xf32>
      %broadcast_in_dim3A_324 = arith.constant 0.000000e+00 : f32
      %broadcast_in_dim3A_325 = vector.broadcast %broadcast_in_dim3A_324 : f32 to vector<16xf32>
      %broadcast_in_dim3A_326 = arith.constant 0.000000e+00 : f32
      %broadcast_in_dim3A_327 = vector.broadcast %broadcast_in_dim3A_326 : f32 to vector<16xf32>
      %scan3A_328 = arith.constant 0 : i32
      %scan3A_329 = arith.constant 96 : i32
      %scan3A_330 = arith.addi %scan3A_328, %scan3A_329 : i32
      %scan3A_331 = arith.constant 1 : i32
      %scan3A_332:32 = scf.for %scan3A_463 = %scan3A_328 to %scan3A_330 step %scan3A_331 iter_args(%scan3A_464 = %broadcast_in_dim3A_265, %scan3A_465 = %broadcast_in_dim3A_267, %scan3A_466 = %broadcast_in_dim3A_269, %scan3A_467 = %broadcast_in_dim3A_271, %scan3A_468 = %broadcast_in_dim3A_273, %scan3A_469 = %broadcast_in_dim3A_275, %scan3A_470 = %broadcast_in_dim3A_277, %scan3A_471 = %broadcast_in_dim3A_279, %scan3A_472 = %broadcast_in_dim3A_281, %scan3A_473 = %broadcast_in_dim3A_283, %scan3A_474 = %broadcast_in_dim3A_285, %scan3A_475 = %broadcast_in_dim3A_287, %scan3A_476 = %broadcast_in_dim3A_289, %scan3A_477 = %broadcast_in_dim3A_291, %scan3A_478 = %broadcast_in_dim3A_293, %scan3A_479 = %broadcast_in_dim3A_295, %scan3A_480 = %broadcast_in_dim3A_297, %scan3A_481 = %broadcast_in_dim3A_299, %scan3A_482 = %broadcast_in_dim3A_301, %scan3A_483 = %broadcast_in_dim3A_303, %scan3A_484 = %broadcast_in_dim3A_305, %scan3A_485 = %broadcast_in_dim3A_307, %scan3A_486 = %broadcast_in_dim3A_309, %scan3A_487 = %broadcast_in_dim3A_311, %scan3A_488 = %broadcast_in_dim3A_313, %scan3A_489 = %broadcast_in_dim3A_315, %scan3A_490 = %broadcast_in_dim3A_317, %scan3A_491 = %broadcast_in_dim3A_319, %scan3A_492 = %broadcast_in_dim3A_321, %scan3A_493 = %broadcast_in_dim3A_323, %scan3A_494 = %broadcast_in_dim3A_325, %scan3A_495 = %broadcast_in_dim3A_327) -> (vector<16xf32>, vector<16xf32>, vector<16xf32>, vector<16xf32>, vector<16xf32>, vector<16xf32>, vector<16xf32>, vector<16xf32>, vector<16xf32>, vector<16xf32>, vector<16xf32>, vector<16xf32>, vector<16xf32>, vector<16xf32>, vector<16xf32>, vector<16xf32>, vector<16xf32>, vector<16xf32>, vector<16xf32>, vector<16xf32>, vector<16xf32>, vector<16xf32>, vector<16xf32>, vector<16xf32>, vector<16xf32>, vector<16xf32>, vector<16xf32>, vector<16xf32>, vector<16xf32>, vector<16xf32>, vector<16xf32>, vector<16xf32>)  : i32 {
        %get3A = arith.index_cast %scan3A_463 : i32 to index
        %get3A_496 = arith.constant 0 : index
        %get3A_497 = tpu.vector_load %arg12[%get3A, %get3A_496] {strides = array<i32>} : memref<96x16xf32, #tpu.memory_space<vmem>>, vector<1x16xf32>,
        %get3A_498 = vector.shape_cast %get3A_497 : vector<1x16xf32> to vector<16xf32>
        %broadcast_in_dim3A_499 = arith.constant 0 : i32
        %broadcast_in_dim3A_500 = vector.broadcast %broadcast_in_dim3A_499 : i32 to vector<16x1xi32>
        %gather3A = vector.shape_cast %broadcast_in_dim3A_500 : vector<16x1xi32> to vector<16xi32>
        %gather3A_501 = tpu.dynamic_gather %get3A_498[%gather3A] in [0] : vector<16xf32>, vector<16xi32> -> vector<16xf32>
        %broadcast_in_dim3A_502 = arith.constant 1 : i32
        %broadcast_in_dim3A_503 = vector.broadcast %broadcast_in_dim3A_502 : i32 to vector<16x1xi32>
        %gather3A_504 = vector.shape_cast %broadcast_in_dim3A_503 : vector<16x1xi32> to vector<16xi32>
        %gather3A_505 = tpu.dynamic_gather %get3A_498[%gather3A_504] in [0] : vector<16xf32>, vector<16xi32> -> vector<16xf32>
        %broadcast_in_dim3A_506 = arith.constant 2 : i32
        %broadcast_in_dim3A_507 = vector.broadcast %broadcast_in_dim3A_506 : i32 to vector<16x1xi32>
        %gather3A_508 = vector.shape_cast %broadcast_in_dim3A_507 : vector<16x1xi32> to vector<16xi32>
        %gather3A_509 = tpu.dynamic_gather %get3A_498[%gather3A_508] in [0] : vector<16xf32>, vector<16xi32> -> vector<16xf32>
        %broadcast_in_dim3A_510 = arith.constant 3 : i32
        %broadcast_in_dim3A_511 = vector.broadcast %broadcast_in_dim3A_510 : i32 to vector<16x1xi32>
        %gather3A_512 = vector.shape_cast %broadcast_in_dim3A_511 : vector<16x1xi32> to vector<16xi32>
        %gather3A_513 = tpu.dynamic_gather %get3A_498[%gather3A_512] in [0] : vector<16xf32>, vector<16xi32> -> vector<16xf32>
        %get3A_514 = arith.index_cast %scan3A_463 : i32 to index
        %get3A_515 = arith.constant 0 : index
        %get3A_516 = tpu.vector_load %arg10[%get3A_514, %get3A_515] {strides = array<i32>} : memref<96x128xf32, #tpu.memory_space<vmem>>, vector<1x16xf32>,
        %get3A_517 = vector.shape_cast %get3A_516 : vector<1x16xf32> to vector<16xf32>
        %mul3A_518 = arith.mulf %gather3A_501, %get3A_517 : vector<16xf32>
        %add3A_519 = arith.addf %scan3A_464, %mul3A_518 : vector<16xf32>
        %mul3A_520 = arith.mulf %gather3A_505, %get3A_517 : vector<16xf32>
        %add3A_521 = arith.addf %scan3A_472, %mul3A_520 : vector<16xf32>
        %mul3A_522 = arith.mulf %gather3A_509, %get3A_517 : vector<16xf32>
        %add3A_523 = arith.addf %scan3A_480, %mul3A_522 : vector<16xf32>
        %mul3A_524 = arith.mulf %gather3A_513, %get3A_517 : vector<16xf32>
        %add3A_525 = arith.addf %scan3A_488, %mul3A_524 : vector<16xf32>
        %get3A_526 = arith.index_cast %scan3A_463 : i32 to index
        %get3A_527 = arith.constant 16 : index
        %get3A_528 = tpu.vector_load %arg10[%get3A_526, %get3A_527] {strides = array<i32>} : memref<96x128xf32, #tpu.memory_space<vmem>>, vector<1x16xf32>,
        %get3A_529 = vector.shape_cast %get3A_528 : vector<1x16xf32> to vector<16xf32>
        %mul3A_530 = arith.mulf %gather3A_501, %get3A_529 : vector<16xf32>
        %add3A_531 = arith.addf %scan3A_465, %mul3A_530 : vector<16xf32>
        %mul3A_532 = arith.mulf %gather3A_505, %get3A_529 : vector<16xf32>
        %add3A_533 = arith.addf %scan3A_473, %mul3A_532 : vector<16xf32>
        %mul3A_534 = arith.mulf %gather3A_509, %get3A_529 : vector<16xf32>
        %add3A_535 = arith.addf %scan3A_481, %mul3A_534 : vector<16xf32>
        %mul3A_536 = arith.mulf %gather3A_513, %get3A_529 : vector<16xf32>
        %add3A_537 = arith.addf %scan3A_489, %mul3A_536 : vector<16xf32>
        %get3A_538 = arith.index_cast %scan3A_463 : i32 to index
        %get3A_539 = arith.constant 32 : index
        %get3A_540 = tpu.vector_load %arg10[%get3A_538, %get3A_539] {strides = array<i32>} : memref<96x128xf32, #tpu.memory_space<vmem>>, vector<1x16xf32>,
        %get3A_541 = vector.shape_cast %get3A_540 : vector<1x16xf32> to vector<16xf32>
        %mul3A_542 = arith.mulf %gather3A_501, %get3A_541 : vector<16xf32>
        %add3A_543 = arith.addf %scan3A_466, %mul3A_542 : vector<16xf32>
        %mul3A_544 = arith.mulf %gather3A_505, %get3A_541 : vector<16xf32>
        %add3A_545 = arith.addf %scan3A_474, %mul3A_544 : vector<16xf32>
        %mul3A_546 = arith.mulf %gather3A_509, %get3A_541 : vector<16xf32>
        %add3A_547 = arith.addf %scan3A_482, %mul3A_546 : vector<16xf32>
        %mul3A_548 = arith.mulf %gather3A_513, %get3A_541 : vector<16xf32>
        %add3A_549 = arith.addf %scan3A_490, %mul3A_548 : vector<16xf32>
        %get3A_550 = arith.index_cast %scan3A_463 : i32 to index
        %get3A_551 = arith.constant 48 : index
        %get3A_552 = tpu.vector_load %arg10[%get3A_550, %get3A_551] {strides = array<i32>} : memref<96x128xf32, #tpu.memory_space<vmem>>, vector<1x16xf32>,
        %get3A_553 = vector.shape_cast %get3A_552 : vector<1x16xf32> to vector<16xf32>
        %mul3A_554 = arith.mulf %gather3A_501, %get3A_553 : vector<16xf32>
        %add3A_555 = arith.addf %scan3A_467, %mul3A_554 : vector<16xf32>
        %mul3A_556 = arith.mulf %gather3A_505, %get3A_553 : vector<16xf32>
        %add3A_557 = arith.addf %scan3A_475, %mul3A_556 : vector<16xf32>
        %mul3A_558 = arith.mulf %gather3A_509, %get3A_553 : vector<16xf32>
        %add3A_559 = arith.addf %scan3A_483, %mul3A_558 : vector<16xf32>
        %mul3A_560 = arith.mulf %gather3A_513, %get3A_553 : vector<16xf32>
        %add3A_561 = arith.addf %scan3A_491, %mul3A_560 : vector<16xf32>
        %get3A_562 = arith.index_cast %scan3A_463 : i32 to index
        %get3A_563 = arith.constant 64 : index
        %get3A_564 = tpu.vector_load %arg10[%get3A_562, %get3A_563] {strides = array<i32>} : memref<96x128xf32, #tpu.memory_space<vmem>>, vector<1x16xf32>,
        %get3A_565 = vector.shape_cast %get3A_564 : vector<1x16xf32> to vector<16xf32>
        %mul3A_566 = arith.mulf %gather3A_501, %get3A_565 : vector<16xf32>
        %add3A_567 = arith.addf %scan3A_468, %mul3A_566 : vector<16xf32>
        %mul3A_568 = arith.mulf %gather3A_505, %get3A_565 : vector<16xf32>
        %add3A_569 = arith.addf %scan3A_476, %mul3A_568 : vector<16xf32>
        %mul3A_570 = arith.mulf %gather3A_509, %get3A_565 : vector<16xf32>
        %add3A_571 = arith.addf %scan3A_484, %mul3A_570 : vector<16xf32>
        %mul3A_572 = arith.mulf %gather3A_513, %get3A_565 : vector<16xf32>
        %add3A_573 = arith.addf %scan3A_492, %mul3A_572 : vector<16xf32>
        %get3A_574 = arith.index_cast %scan3A_463 : i32 to index
        %get3A_575 = arith.constant 80 : index
        %get3A_576 = tpu.vector_load %arg10[%get3A_574, %get3A_575] {strides = array<i32>} : memref<96x128xf32, #tpu.memory_space<vmem>>, vector<1x16xf32>,
        %get3A_577 = vector.shape_cast %get3A_576 : vector<1x16xf32> to vector<16xf32>
        %mul3A_578 = arith.mulf %gather3A_501, %get3A_577 : vector<16xf32>
        %add3A_579 = arith.addf %scan3A_469, %mul3A_578 : vector<16xf32>
        %mul3A_580 = arith.mulf %gather3A_505, %get3A_577 : vector<16xf32>
        %add3A_581 = arith.addf %scan3A_477, %mul3A_580 : vector<16xf32>
        %mul3A_582 = arith.mulf %gather3A_509, %get3A_577 : vector<16xf32>
        %add3A_583 = arith.addf %scan3A_485, %mul3A_582 : vector<16xf32>
        %mul3A_584 = arith.mulf %gather3A_513, %get3A_577 : vector<16xf32>
        %add3A_585 = arith.addf %scan3A_493, %mul3A_584 : vector<16xf32>
        %get3A_586 = arith.index_cast %scan3A_463 : i32 to index
        %get3A_587 = arith.constant 96 : index
        %get3A_588 = tpu.vector_load %arg10[%get3A_586, %get3A_587] {strides = array<i32>} : memref<96x128xf32, #tpu.memory_space<vmem>>, vector<1x16xf32>,
        %get3A_589 = vector.shape_cast %get3A_588 : vector<1x16xf32> to vector<16xf32>
        %mul3A_590 = arith.mulf %gather3A_501, %get3A_589 : vector<16xf32>
        %add3A_591 = arith.addf %scan3A_470, %mul3A_590 : vector<16xf32>
        %mul3A_592 = arith.mulf %gather3A_505, %get3A_589 : vector<16xf32>
        %add3A_593 = arith.addf %scan3A_478, %mul3A_592 : vector<16xf32>
        %mul3A_594 = arith.mulf %gather3A_509, %get3A_589 : vector<16xf32>
        %add3A_595 = arith.addf %scan3A_486, %mul3A_594 : vector<16xf32>
        %mul3A_596 = arith.mulf %gather3A_513, %get3A_589 : vector<16xf32>
        %add3A_597 = arith.addf %scan3A_494, %mul3A_596 : vector<16xf32>
        %get3A_598 = arith.index_cast %scan3A_463 : i32 to index
        %get3A_599 = arith.constant 112 : index
        %get3A_600 = tpu.vector_load %arg10[%get3A_598, %get3A_599] {strides = array<i32>} : memref<96x128xf32, #tpu.memory_space<vmem>>, vector<1x16xf32>,
        %get3A_601 = vector.shape_cast %get3A_600 : vector<1x16xf32> to vector<16xf32>
        %mul3A_602 = arith.mulf %gather3A_501, %get3A_601 : vector<16xf32>
        %add3A_603 = arith.addf %scan3A_471, %mul3A_602 : vector<16xf32>
        %mul3A_604 = arith.mulf %gather3A_505, %get3A_601 : vector<16xf32>
        %add3A_605 = arith.addf %scan3A_479, %mul3A_604 : vector<16xf32>
        %mul3A_606 = arith.mulf %gather3A_509, %get3A_601 : vector<16xf32>
        %add3A_607 = arith.addf %scan3A_487, %mul3A_606 : vector<16xf32>
        %mul3A_608 = arith.mulf %gather3A_513, %get3A_601 : vector<16xf32>
        %add3A_609 = arith.addf %scan3A_495, %mul3A_608 : vector<16xf32>
        scf.yield %add3A_519, %add3A_531, %add3A_543, %add3A_555, %add3A_567, %add3A_579, %add3A_591, %add3A_603, %add3A_521, %add3A_533, %add3A_545, %add3A_557, %add3A_569, %add3A_581, %add3A_593, %add3A_605, %add3A_523, %add3A_535, %add3A_547, %add3A_559, %add3A_571, %add3A_583, %add3A_595, %add3A_607, %add3A_525, %add3A_537, %add3A_549, %add3A_561, %add3A_573, %add3A_585, %add3A_597, %add3A_609 : vector<16xf32>, vector<16xf32>, vector<16xf32>, vector<16xf32>, vector<16xf32>, vector<16xf32>, vector<16xf32>, vector<16xf32>, vector<16xf32>, vector<16xf32>, vector<16xf32>, vector<16xf32>, vector<16xf32>, vector<16xf32>, vector<16xf32>, vector<16xf32>, vector<16xf32>, vector<16xf32>, vector<16xf32>, vector<16xf32>, vector<16xf32>, vector<16xf32>, vector<16xf32>, vector<16xf32>, vector<16xf32>, vector<16xf32>, vector<16xf32>, vector<16xf32>, vector<16xf32>, vector<16xf32>, vector<16xf32>, vector<16xf32>
      }
      %scan3A_333 = arith.constant 96 : i32
      %swap3A_334 = arith.constant 0 : index
      %swap3A_335 = tpu.vector_load %arg13[%swap3A_334] {strides = array<i32>} : memref<512xf32, #tpu.memory_space<vmem>>, vector<16xf32>,
      %swap3A_336 = vector.shape_cast %swap3A_335 : vector<16xf32> to vector<16xf32>
      %swap3A_337 = vector.shape_cast %scan3A_332#0 : vector<16xf32> to vector<16xf32>
      tpu.vector_store %arg13[%swap3A_334], %swap3A_337 {strides = array<i32>} : memref<512xf32, #tpu.memory_space<vmem>>, vector<16xf32>,
      %swap3A_338 = arith.constant 16 : index
      %swap3A_339 = tpu.vector_load %arg13[%swap3A_338] {strides = array<i32>} : memref<512xf32, #tpu.memory_space<vmem>>, vector<16xf32>,
      %swap3A_340 = vector.shape_cast %swap3A_339 : vector<16xf32> to vector<16xf32>
      %swap3A_341 = vector.shape_cast %scan3A_332#1 : vector<16xf32> to vector<16xf32>
      tpu.vector_store %arg13[%swap3A_338], %swap3A_341 {strides = array<i32>} : memref<512xf32, #tpu.memory_space<vmem>>, vector<16xf32>,
      %swap3A_342 = arith.constant 32 : index
      %swap3A_343 = tpu.vector_load %arg13[%swap3A_342] {strides = array<i32>} : memref<512xf32, #tpu.memory_space<vmem>>, vector<16xf32>,
      %swap3A_344 = vector.shape_cast %swap3A_343 : vector<16xf32> to vector<16xf32>
      %swap3A_345 = vector.shape_cast %scan3A_332#2 : vector<16xf32> to vector<16xf32>
      tpu.vector_store %arg13[%swap3A_342], %swap3A_345 {strides = array<i32>} : memref<512xf32, #tpu.memory_space<vmem>>, vector<16xf32>,
      %swap3A_346 = arith.constant 48 : index
      %swap3A_347 = tpu.vector_load %arg13[%swap3A_346] {strides = array<i32>} : memref<512xf32, #tpu.memory_space<vmem>>, vector<16xf32>,
      %swap3A_348 = vector.shape_cast %swap3A_347 : vector<16xf32> to vector<16xf32>
      %swap3A_349 = vector.shape_cast %scan3A_332#3 : vector<16xf32> to vector<16xf32>
      tpu.vector_store %arg13[%swap3A_346], %swap3A_349 {strides = array<i32>} : memref<512xf32, #tpu.memory_space<vmem>>, vector<16xf32>,
      %swap3A_350 = arith.constant 64 : index
      %swap3A_351 = tpu.vector_load %arg13[%swap3A_350] {strides = array<i32>} : memref<512xf32, #tpu.memory_space<vmem>>, vector<16xf32>,
      %swap3A_352 = vector.shape_cast %swap3A_351 : vector<16xf32> to vector<16xf32>
      %swap3A_353 = vector.shape_cast %scan3A_332#4 : vector<16xf32> to vector<16xf32>
      tpu.vector_store %arg13[%swap3A_350], %swap3A_353 {strides = array<i32>} : memref<512xf32, #tpu.memory_space<vmem>>, vector<16xf32>,
      %swap3A_354 = arith.constant 80 : index
      %swap3A_355 = tpu.vector_load %arg13[%swap3A_354] {strides = array<i32>} : memref<512xf32, #tpu.memory_space<vmem>>, vector<16xf32>,
      %swap3A_356 = vector.shape_cast %swap3A_355 : vector<16xf32> to vector<16xf32>
      %swap3A_357 = vector.shape_cast %scan3A_332#5 : vector<16xf32> to vector<16xf32>
      tpu.vector_store %arg13[%swap3A_354], %swap3A_357 {strides = array<i32>} : memref<512xf32, #tpu.memory_space<vmem>>, vector<16xf32>,
      %swap3A_358 = arith.constant 96 : index
      %swap3A_359 = tpu.vector_load %arg13[%swap3A_358] {strides = array<i32>} : memref<512xf32, #tpu.memory_space<vmem>>, vector<16xf32>,
      %swap3A_360 = vector.shape_cast %swap3A_359 : vector<16xf32> to vector<16xf32>
      %swap3A_361 = vector.shape_cast %scan3A_332#6 : vector<16xf32> to vector<16xf32>
      tpu.vector_store %arg13[%swap3A_358], %swap3A_361 {strides = array<i32>} : memref<512xf32, #tpu.memory_space<vmem>>, vector<16xf32>,
      %swap3A_362 = arith.constant 112 : index
      %swap3A_363 = tpu.vector_load %arg13[%swap3A_362] {strides = array<i32>} : memref<512xf32, #tpu.memory_space<vmem>>, vector<16xf32>,
      %swap3A_364 = vector.shape_cast %swap3A_363 : vector<16xf32> to vector<16xf32>
      %swap3A_365 = vector.shape_cast %scan3A_332#7 : vector<16xf32> to vector<16xf32>
      tpu.vector_store %arg13[%swap3A_362], %swap3A_365 {strides = array<i32>} : memref<512xf32, #tpu.memory_space<vmem>>, vector<16xf32>,
      %swap3A_366 = arith.constant 128 : index
      %swap3A_367 = tpu.vector_load %arg13[%swap3A_366] {strides = array<i32>} : memref<512xf32, #tpu.memory_space<vmem>>, vector<16xf32>,
      %swap3A_368 = vector.shape_cast %swap3A_367 : vector<16xf32> to vector<16xf32>
      %swap3A_369 = vector.shape_cast %scan3A_332#8 : vector<16xf32> to vector<16xf32>
      tpu.vector_store %arg13[%swap3A_366], %swap3A_369 {strides = array<i32>} : memref<512xf32, #tpu.memory_space<vmem>>, vector<16xf32>,
      %swap3A_370 = arith.constant 144 : index
      %swap3A_371 = tpu.vector_load %arg13[%swap3A_370] {strides = array<i32>} : memref<512xf32, #tpu.memory_space<vmem>>, vector<16xf32>,
      %swap3A_372 = vector.shape_cast %swap3A_371 : vector<16xf32> to vector<16xf32>
      %swap3A_373 = vector.shape_cast %scan3A_332#9 : vector<16xf32> to vector<16xf32>
      tpu.vector_store %arg13[%swap3A_370], %swap3A_373 {strides = array<i32>} : memref<512xf32, #tpu.memory_space<vmem>>, vector<16xf32>,
      %swap3A_374 = arith.constant 160 : index
      %swap3A_375 = tpu.vector_load %arg13[%swap3A_374] {strides = array<i32>} : memref<512xf32, #tpu.memory_space<vmem>>, vector<16xf32>,
      %swap3A_376 = vector.shape_cast %swap3A_375 : vector<16xf32> to vector<16xf32>
      %swap3A_377 = vector.shape_cast %scan3A_332#10 : vector<16xf32> to vector<16xf32>
      tpu.vector_store %arg13[%swap3A_374], %swap3A_377 {strides = array<i32>} : memref<512xf32, #tpu.memory_space<vmem>>, vector<16xf32>,
      %swap3A_378 = arith.constant 176 : index
      %swap3A_379 = tpu.vector_load %arg13[%swap3A_378] {strides = array<i32>} : memref<512xf32, #tpu.memory_space<vmem>>, vector<16xf32>,
      %swap3A_380 = vector.shape_cast %swap3A_379 : vector<16xf32> to vector<16xf32>
      %swap3A_381 = vector.shape_cast %scan3A_332#11 : vector<16xf32> to vector<16xf32>
      tpu.vector_store %arg13[%swap3A_378], %swap3A_381 {strides = array<i32>} : memref<512xf32, #tpu.memory_space<vmem>>, vector<16xf32>,
      %swap3A_382 = arith.constant 192 : index
      %swap3A_383 = tpu.vector_load %arg13[%swap3A_382] {strides = array<i32>} : memref<512xf32, #tpu.memory_space<vmem>>, vector<16xf32>,
      %swap3A_384 = vector.shape_cast %swap3A_383 : vector<16xf32> to vector<16xf32>
      %swap3A_385 = vector.shape_cast %scan3A_332#12 : vector<16xf32> to vector<16xf32>
      tpu.vector_store %arg13[%swap3A_382], %swap3A_385 {strides = array<i32>} : memref<512xf32, #tpu.memory_space<vmem>>, vector<16xf32>,
      %swap3A_386 = arith.constant 208 : index
      %swap3A_387 = tpu.vector_load %arg13[%swap3A_386] {strides = array<i32>} : memref<512xf32, #tpu.memory_space<vmem>>, vector<16xf32>,
      %swap3A_388 = vector.shape_cast %swap3A_387 : vector<16xf32> to vector<16xf32>
      %swap3A_389 = vector.shape_cast %scan3A_332#13 : vector<16xf32> to vector<16xf32>
      tpu.vector_store %arg13[%swap3A_386], %swap3A_389 {strides = array<i32>} : memref<512xf32, #tpu.memory_space<vmem>>, vector<16xf32>,
      %swap3A_390 = arith.constant 224 : index
      %swap3A_391 = tpu.vector_load %arg13[%swap3A_390] {strides = array<i32>} : memref<512xf32, #tpu.memory_space<vmem>>, vector<16xf32>,
      %swap3A_392 = vector.shape_cast %swap3A_391 : vector<16xf32> to vector<16xf32>
      %swap3A_393 = vector.shape_cast %scan3A_332#14 : vector<16xf32> to vector<16xf32>
      tpu.vector_store %arg13[%swap3A_390], %swap3A_393 {strides = array<i32>} : memref<512xf32, #tpu.memory_space<vmem>>, vector<16xf32>,
      %swap3A_394 = arith.constant 240 : index
      %swap3A_395 = tpu.vector_load %arg13[%swap3A_394] {strides = array<i32>} : memref<512xf32, #tpu.memory_space<vmem>>, vector<16xf32>,
      %swap3A_396 = vector.shape_cast %swap3A_395 : vector<16xf32> to vector<16xf32>
      %swap3A_397 = vector.shape_cast %scan3A_332#15 : vector<16xf32> to vector<16xf32>
      tpu.vector_store %arg13[%swap3A_394], %swap3A_397 {strides = array<i32>} : memref<512xf32, #tpu.memory_space<vmem>>, vector<16xf32>,
      %swap3A_398 = arith.constant 256 : index
      %swap3A_399 = tpu.vector_load %arg13[%swap3A_398] {strides = array<i32>} : memref<512xf32, #tpu.memory_space<vmem>>, vector<16xf32>,
      %swap3A_400 = vector.shape_cast %swap3A_399 : vector<16xf32> to vector<16xf32>
      %swap3A_401 = vector.shape_cast %scan3A_332#16 : vector<16xf32> to vector<16xf32>
      tpu.vector_store %arg13[%swap3A_398], %swap3A_401 {strides = array<i32>} : memref<512xf32, #tpu.memory_space<vmem>>, vector<16xf32>,
      %swap3A_402 = arith.constant 272 : index
      %swap3A_403 = tpu.vector_load %arg13[%swap3A_402] {strides = array<i32>} : memref<512xf32, #tpu.memory_space<vmem>>, vector<16xf32>,
      %swap3A_404 = vector.shape_cast %swap3A_403 : vector<16xf32> to vector<16xf32>
      %swap3A_405 = vector.shape_cast %scan3A_332#17 : vector<16xf32> to vector<16xf32>
      tpu.vector_store %arg13[%swap3A_402], %swap3A_405 {strides = array<i32>} : memref<512xf32, #tpu.memory_space<vmem>>, vector<16xf32>,
      %swap3A_406 = arith.constant 288 : index
      %swap3A_407 = tpu.vector_load %arg13[%swap3A_406] {strides = array<i32>} : memref<512xf32, #tpu.memory_space<vmem>>, vector<16xf32>,
      %swap3A_408 = vector.shape_cast %swap3A_407 : vector<16xf32> to vector<16xf32>
      %swap3A_409 = vector.shape_cast %scan3A_332#18 : vector<16xf32> to vector<16xf32>
      tpu.vector_store %arg13[%swap3A_406], %swap3A_409 {strides = array<i32>} : memref<512xf32, #tpu.memory_space<vmem>>, vector<16xf32>,
      %swap3A_410 = arith.constant 304 : index
      %swap3A_411 = tpu.vector_load %arg13[%swap3A_410] {strides = array<i32>} : memref<512xf32, #tpu.memory_space<vmem>>, vector<16xf32>,
      %swap3A_412 = vector.shape_cast %swap3A_411 : vector<16xf32> to vector<16xf32>
      %swap3A_413 = vector.shape_cast %scan3A_332#19 : vector<16xf32> to vector<16xf32>
      tpu.vector_store %arg13[%swap3A_410], %swap3A_413 {strides = array<i32>} : memref<512xf32, #tpu.memory_space<vmem>>, vector<16xf32>,
      %swap3A_414 = arith.constant 320 : index
      %swap3A_415 = tpu.vector_load %arg13[%swap3A_414] {strides = array<i32>} : memref<512xf32, #tpu.memory_space<vmem>>, vector<16xf32>,
      %swap3A_416 = vector.shape_cast %swap3A_415 : vector<16xf32> to vector<16xf32>
      %swap3A_417 = vector.shape_cast %scan3A_332#20 : vector<16xf32> to vector<16xf32>
      tpu.vector_store %arg13[%swap3A_414], %swap3A_417 {strides = array<i32>} : memref<512xf32, #tpu.memory_space<vmem>>, vector<16xf32>,
      %swap3A_418 = arith.constant 336 : index
      %swap3A_419 = tpu.vector_load %arg13[%swap3A_418] {strides = array<i32>} : memref<512xf32, #tpu.memory_space<vmem>>, vector<16xf32>,
      %swap3A_420 = vector.shape_cast %swap3A_419 : vector<16xf32> to vector<16xf32>
      %swap3A_421 = vector.shape_cast %scan3A_332#21 : vector<16xf32> to vector<16xf32>
      tpu.vector_store %arg13[%swap3A_418], %swap3A_421 {strides = array<i32>} : memref<512xf32, #tpu.memory_space<vmem>>, vector<16xf32>,
      %swap3A_422 = arith.constant 352 : index
      %swap3A_423 = tpu.vector_load %arg13[%swap3A_422] {strides = array<i32>} : memref<512xf32, #tpu.memory_space<vmem>>, vector<16xf32>,
      %swap3A_424 = vector.shape_cast %swap3A_423 : vector<16xf32> to vector<16xf32>
      %swap3A_425 = vector.shape_cast %scan3A_332#22 : vector<16xf32> to vector<16xf32>
      tpu.vector_store %arg13[%swap3A_422], %swap3A_425 {strides = array<i32>} : memref<512xf32, #tpu.memory_space<vmem>>, vector<16xf32>,
      %swap3A_426 = arith.constant 368 : index
      %swap3A_427 = tpu.vector_load %arg13[%swap3A_426] {strides = array<i32>} : memref<512xf32, #tpu.memory_space<vmem>>, vector<16xf32>,
      %swap3A_428 = vector.shape_cast %swap3A_427 : vector<16xf32> to vector<16xf32>
      %swap3A_429 = vector.shape_cast %scan3A_332#23 : vector<16xf32> to vector<16xf32>
      tpu.vector_store %arg13[%swap3A_426], %swap3A_429 {strides = array<i32>} : memref<512xf32, #tpu.memory_space<vmem>>, vector<16xf32>,
      %swap3A_430 = arith.constant 384 : index
      %swap3A_431 = tpu.vector_load %arg13[%swap3A_430] {strides = array<i32>} : memref<512xf32, #tpu.memory_space<vmem>>, vector<16xf32>,
      %swap3A_432 = vector.shape_cast %swap3A_431 : vector<16xf32> to vector<16xf32>
      %swap3A_433 = vector.shape_cast %scan3A_332#24 : vector<16xf32> to vector<16xf32>
      tpu.vector_store %arg13[%swap3A_430], %swap3A_433 {strides = array<i32>} : memref<512xf32, #tpu.memory_space<vmem>>, vector<16xf32>,
      %swap3A_434 = arith.constant 400 : index
      %swap3A_435 = tpu.vector_load %arg13[%swap3A_434] {strides = array<i32>} : memref<512xf32, #tpu.memory_space<vmem>>, vector<16xf32>,
      %swap3A_436 = vector.shape_cast %swap3A_435 : vector<16xf32> to vector<16xf32>
      %swap3A_437 = vector.shape_cast %scan3A_332#25 : vector<16xf32> to vector<16xf32>
      tpu.vector_store %arg13[%swap3A_434], %swap3A_437 {strides = array<i32>} : memref<512xf32, #tpu.memory_space<vmem>>, vector<16xf32>,
      %swap3A_438 = arith.constant 416 : index
      %swap3A_439 = tpu.vector_load %arg13[%swap3A_438] {strides = array<i32>} : memref<512xf32, #tpu.memory_space<vmem>>, vector<16xf32>,
      %swap3A_440 = vector.shape_cast %swap3A_439 : vector<16xf32> to vector<16xf32>
      %swap3A_441 = vector.shape_cast %scan3A_332#26 : vector<16xf32> to vector<16xf32>
      tpu.vector_store %arg13[%swap3A_438], %swap3A_441 {strides = array<i32>} : memref<512xf32, #tpu.memory_space<vmem>>, vector<16xf32>,
      %swap3A_442 = arith.constant 432 : index
      %swap3A_443 = tpu.vector_load %arg13[%swap3A_442] {strides = array<i32>} : memref<512xf32, #tpu.memory_space<vmem>>, vector<16xf32>,
      %swap3A_444 = vector.shape_cast %swap3A_443 : vector<16xf32> to vector<16xf32>
      %swap3A_445 = vector.shape_cast %scan3A_332#27 : vector<16xf32> to vector<16xf32>
      tpu.vector_store %arg13[%swap3A_442], %swap3A_445 {strides = array<i32>} : memref<512xf32, #tpu.memory_space<vmem>>, vector<16xf32>,
      %swap3A_446 = arith.constant 448 : index
      %swap3A_447 = tpu.vector_load %arg13[%swap3A_446] {strides = array<i32>} : memref<512xf32, #tpu.memory_space<vmem>>, vector<16xf32>,
      %swap3A_448 = vector.shape_cast %swap3A_447 : vector<16xf32> to vector<16xf32>
      %swap3A_449 = vector.shape_cast %scan3A_332#28 : vector<16xf32> to vector<16xf32>
      tpu.vector_store %arg13[%swap3A_446], %swap3A_449 {strides = array<i32>} : memref<512xf32, #tpu.memory_space<vmem>>, vector<16xf32>,
      %swap3A_450 = arith.constant 464 : index
      %swap3A_451 = tpu.vector_load %arg13[%swap3A_450] {strides = array<i32>} : memref<512xf32, #tpu.memory_space<vmem>>, vector<16xf32>,
      %swap3A_452 = vector.shape_cast %swap3A_451 : vector<16xf32> to vector<16xf32>
      %swap3A_453 = vector.shape_cast %scan3A_332#29 : vector<16xf32> to vector<16xf32>
      tpu.vector_store %arg13[%swap3A_450], %swap3A_453 {strides = array<i32>} : memref<512xf32, #tpu.memory_space<vmem>>, vector<16xf32>,
      %swap3A_454 = arith.constant 480 : index
      %swap3A_455 = tpu.vector_load %arg13[%swap3A_454] {strides = array<i32>} : memref<512xf32, #tpu.memory_space<vmem>>, vector<16xf32>,
      %swap3A_456 = vector.shape_cast %swap3A_455 : vector<16xf32> to vector<16xf32>
      %swap3A_457 = vector.shape_cast %scan3A_332#30 : vector<16xf32> to vector<16xf32>
      tpu.vector_store %arg13[%swap3A_454], %swap3A_457 {strides = array<i32>} : memref<512xf32, #tpu.memory_space<vmem>>, vector<16xf32>,
      %swap3A_458 = arith.constant 496 : index
      %swap3A_459 = tpu.vector_load %arg13[%swap3A_458] {strides = array<i32>} : memref<512xf32, #tpu.memory_space<vmem>>, vector<16xf32>,
      %swap3A_460 = vector.shape_cast %swap3A_459 : vector<16xf32> to vector<16xf32>
      %swap3A_461 = vector.shape_cast %scan3A_332#31 : vector<16xf32> to vector<16xf32>
      tpu.vector_store %arg13[%swap3A_458], %swap3A_461 {strides = array<i32>} : memref<512xf32, #tpu.memory_space<vmem>>, vector<16xf32>,
      %add3A_462 = arith.addi %mul3A_2, %add3A_27 : i32
      "tpu.region"() ({
        %run_scoped3A = tpu.sem_alloc : memref<!tpu.dma_semaphore, #tpu.memory_space<semaphore_mem>>
        %dma_start3A_463 = arith.constant 0 : i32
        %dma_start3A_464 = tpu.memref_slice %arg6[%add3A_462, %dma_start3A_463] : memref<1024x512xf32, #tpu.memory_space<hbm>> -> memref<1x512xf32, #tpu.memory_space<hbm>>
        %dma_start3A_465 = tpu.memref_squeeze %dma_start3A_464 : memref<1x512xf32, #tpu.memory_space<hbm>> -> memref<512xf32, #tpu.memory_space<hbm>>
        %dma_start3A_466 = arith.constant 0 : i32
        %dma_start3A_467 = tpu.memref_slice %arg6[%add3A_462, %dma_start3A_466] : memref<1024x512xf32, #tpu.memory_space<hbm>> -> memref<1x512xf32, #tpu.memory_space<hbm>>
        %dma_start3A_468 = tpu.memref_squeeze %dma_start3A_467 : memref<1x512xf32, #tpu.memory_space<hbm>> -> memref<512xf32, #tpu.memory_space<hbm>>
        tpu.enqueue_dma source(%arg13 : memref<512xf32, #tpu.memory_space<vmem>>) target(%dma_start3A_468 : memref<512xf32, #tpu.memory_space<hbm>>) target_semaphore(%run_scoped3A : memref<!tpu.dma_semaphore, #tpu.memory_space<semaphore_mem>>)
        %dma_wait3A_469 = arith.constant 0 : i32
        %dma_wait3A_470 = tpu.memref_slice %arg6[%add3A_462, %dma_wait3A_469] : memref<1024x512xf32, #tpu.memory_space<hbm>> -> memref<1x512xf32, #tpu.memory_space<hbm>>
        %dma_wait3A_471 = tpu.memref_squeeze %dma_wait3A_470 : memref<1x512xf32, #tpu.memory_space<hbm>> -> memref<512xf32, #tpu.memory_space<hbm>>
        %dma_wait3A_472 = arith.constant 0 : i32
        %dma_wait3A_473 = tpu.memref_slice %arg6[%add3A_462, %dma_wait3A_472] : memref<1024x512xf32, #tpu.memory_space<hbm>> -> memref<1x512xf32, #tpu.memory_space<hbm>>
        %dma_wait3A_474 = tpu.memref_squeeze %dma_wait3A_473 : memref<1x512xf32, #tpu.memory_space<hbm>> -> memref<512xf32, #tpu.memory_space<hbm>>
        tpu.wait_dma2 semaphore(%run_scoped3A : memref<!tpu.dma_semaphore, #tpu.memory_space<semaphore_mem>>) src(%arg13 : memref<512xf32, #tpu.memory_space<vmem>>) dst(%dma_wait3A_474 : memref<512xf32, #tpu.memory_space<hbm>>)
        tpu.yield
      }) : () -> ()
    }
    %scan3A_20 = arith.constant 16 : i32
    return
  }
}

module attributes {stable_mosaic.version = 14 : i64} {
  func.func @body(%arg0: i32, %arg1: memref<20000x128xf32, #tpu.memory_space<vmem>>, %arg2: memref<128x32xf32, #tpu.memory_space<vmem>>, %arg3: memref<1x256xf32, #tpu.memory_space<vmem>>, %arg4: memref<256x128xf32, #tpu.memory_space<vmem>>, %arg5: memref<1x128xf32, #tpu.memory_space<vmem>>, %arg6: memref<1x2500x128xf32, #tpu.memory_space<vmem>>) attributes {dimension_semantics = [#tpu.dimension_semantics<arbitrary>], iteration_bounds = array<i64: 5>, scalar_prefetch = 0 : i64, scratch_operands = 0 : i64, tpu.core_type = #tpu.core_type<tc>, window_params = [{transform_indices = @transform_0, window_bounds = array<i64: 20000, 128>}, {pipeline_mode = #tpu.pipeline_mode<synchronous>, transform_indices = @transform_1, window_bounds = array<i64: 128, 32>}, {pipeline_mode = #tpu.pipeline_mode<synchronous>, transform_indices = @transform_2, window_bounds = array<i64: 1, 256>}, {pipeline_mode = #tpu.pipeline_mode<synchronous>, transform_indices = @transform_3, window_bounds = array<i64: 256, 128>}, {pipeline_mode = #tpu.pipeline_mode<synchronous>, transform_indices = @transform_4, window_bounds = array<i64: 1, 128>}, {transform_indices = @transform_5, window_bounds = array<i64: 1, 2500, 128>}]} {
    %get3A = arith.constant 0 : index
    %get3A_0 = arith.constant 0 : index
    %get3A_1 = vector.load %arg2[%get3A, %get3A_0] : memref<128x32xf32, #tpu.memory_space<vmem>>, vector<128x32xf32>
    %get3A_2 = arith.constant 0 : index
    %get3A_3 = arith.constant 0 : index
    %get3A_4 = vector.load %arg1[%get3A_2, %get3A_3] : memref<20000x128xf32, #tpu.memory_space<vmem>>, vector<2500x128xf32>
    %dot_general3A = arith.constant dense<0.000000e+00> : vector<2500x32xf32>
    %dot_general3A_5 = tpu.matmul %get3A_4, %get3A_1, %dot_general3A {dimension_numbers = #tpu.dot_dimension_numbers<[1], [0], [0], [1], [0, 0, 1, 1], [], []>, transpose_lhs_hint = false} : vector<2500x128xf32>, vector<128x32xf32>, vector<2500x32xf32> -> vector<2500x32xf32>
    %get3A_6 = arith.constant 2500 : index
    %get3A_7 = arith.constant 0 : index
    %get3A_8 = vector.load %arg1[%get3A_6, %get3A_7] : memref<20000x128xf32, #tpu.memory_space<vmem>>, vector<2500x128xf32>
    %dot_general3A_9 = arith.constant dense<0.000000e+00> : vector<2500x32xf32>
    %dot_general3A_10 = tpu.matmul %get3A_8, %get3A_1, %dot_general3A_9 {dimension_numbers = #tpu.dot_dimension_numbers<[1], [0], [0], [1], [0, 0, 1, 1], [], []>, transpose_lhs_hint = false} : vector<2500x128xf32>, vector<128x32xf32>, vector<2500x32xf32> -> vector<2500x32xf32>
    %get3A_11 = arith.constant 5000 : index
    %get3A_12 = arith.constant 0 : index
    %get3A_13 = vector.load %arg1[%get3A_11, %get3A_12] : memref<20000x128xf32, #tpu.memory_space<vmem>>, vector<2500x128xf32>
    %dot_general3A_14 = arith.constant dense<0.000000e+00> : vector<2500x32xf32>
    %dot_general3A_15 = tpu.matmul %get3A_13, %get3A_1, %dot_general3A_14 {dimension_numbers = #tpu.dot_dimension_numbers<[1], [0], [0], [1], [0, 0, 1, 1], [], []>, transpose_lhs_hint = false} : vector<2500x128xf32>, vector<128x32xf32>, vector<2500x32xf32> -> vector<2500x32xf32>
    %get3A_16 = arith.constant 7500 : index
    %get3A_17 = arith.constant 0 : index
    %get3A_18 = vector.load %arg1[%get3A_16, %get3A_17] : memref<20000x128xf32, #tpu.memory_space<vmem>>, vector<2500x128xf32>
    %dot_general3A_19 = arith.constant dense<0.000000e+00> : vector<2500x32xf32>
    %dot_general3A_20 = tpu.matmul %get3A_18, %get3A_1, %dot_general3A_19 {dimension_numbers = #tpu.dot_dimension_numbers<[1], [0], [0], [1], [0, 0, 1, 1], [], []>, transpose_lhs_hint = false} : vector<2500x128xf32>, vector<128x32xf32>, vector<2500x32xf32> -> vector<2500x32xf32>
    %get3A_21 = arith.constant 10000 : index
    %get3A_22 = arith.constant 0 : index
    %get3A_23 = vector.load %arg1[%get3A_21, %get3A_22] : memref<20000x128xf32, #tpu.memory_space<vmem>>, vector<2500x128xf32>
    %dot_general3A_24 = arith.constant dense<0.000000e+00> : vector<2500x32xf32>
    %dot_general3A_25 = tpu.matmul %get3A_23, %get3A_1, %dot_general3A_24 {dimension_numbers = #tpu.dot_dimension_numbers<[1], [0], [0], [1], [0, 0, 1, 1], [], []>, transpose_lhs_hint = false} : vector<2500x128xf32>, vector<128x32xf32>, vector<2500x32xf32> -> vector<2500x32xf32>
    %get3A_26 = arith.constant 12500 : index
    %get3A_27 = arith.constant 0 : index
    %get3A_28 = vector.load %arg1[%get3A_26, %get3A_27] : memref<20000x128xf32, #tpu.memory_space<vmem>>, vector<2500x128xf32>
    %dot_general3A_29 = arith.constant dense<0.000000e+00> : vector<2500x32xf32>
    %dot_general3A_30 = tpu.matmul %get3A_28, %get3A_1, %dot_general3A_29 {dimension_numbers = #tpu.dot_dimension_numbers<[1], [0], [0], [1], [0, 0, 1, 1], [], []>, transpose_lhs_hint = false} : vector<2500x128xf32>, vector<128x32xf32>, vector<2500x32xf32> -> vector<2500x32xf32>
    %get3A_31 = arith.constant 15000 : index
    %get3A_32 = arith.constant 0 : index
    %get3A_33 = vector.load %arg1[%get3A_31, %get3A_32] : memref<20000x128xf32, #tpu.memory_space<vmem>>, vector<2500x128xf32>
    %dot_general3A_34 = arith.constant dense<0.000000e+00> : vector<2500x32xf32>
    %dot_general3A_35 = tpu.matmul %get3A_33, %get3A_1, %dot_general3A_34 {dimension_numbers = #tpu.dot_dimension_numbers<[1], [0], [0], [1], [0, 0, 1, 1], [], []>, transpose_lhs_hint = false} : vector<2500x128xf32>, vector<128x32xf32>, vector<2500x32xf32> -> vector<2500x32xf32>
    %get3A_36 = arith.constant 17500 : index
    %get3A_37 = arith.constant 0 : index
    %get3A_38 = vector.load %arg1[%get3A_36, %get3A_37] : memref<20000x128xf32, #tpu.memory_space<vmem>>, vector<2500x128xf32>
    %dot_general3A_39 = arith.constant dense<0.000000e+00> : vector<2500x32xf32>
    %dot_general3A_40 = tpu.matmul %get3A_38, %get3A_1, %dot_general3A_39 {dimension_numbers = #tpu.dot_dimension_numbers<[1], [0], [0], [1], [0, 0, 1, 1], [], []>, transpose_lhs_hint = false} : vector<2500x128xf32>, vector<128x32xf32>, vector<2500x32xf32> -> vector<2500x32xf32>
    %concatenate3A = tpu.concatenate %dot_general3A_5, %dot_general3A_10, %dot_general3A_15, %dot_general3A_20, %dot_general3A_25, %dot_general3A_30, %dot_general3A_35, %dot_general3A_40 in 1 : vector<2500x32xf32>, vector<2500x32xf32>, vector<2500x32xf32>, vector<2500x32xf32>, vector<2500x32xf32>, vector<2500x32xf32>, vector<2500x32xf32>, vector<2500x32xf32> -> vector<2500x256xf32>
    %get3A_41 = arith.constant 0 : index
    %get3A_42 = arith.constant 0 : index
    %get3A_43 = vector.load %arg3[%get3A_41, %get3A_42] : memref<1x256xf32, #tpu.memory_space<vmem>>, vector<1x256xf32>
    %add3A = vector.broadcast %get3A_43 : vector<1x256xf32> to vector<2500x256xf32>
    %add3A_44 = arith.addf %concatenate3A, %add3A : vector<2500x256xf32>
    %neg3A = arith.constant 0.000000e+00 : f32
    %neg3A_45 = vector.broadcast %neg3A : f32 to vector<2500x256xf32>
    %neg3A_46 = arith.subf %neg3A_45, %add3A_44 : vector<2500x256xf32>
    %exp3A = math.exp %neg3A_46 : vector<2500x256xf32>
    %add3A_47 = arith.constant 1.000000e+00 : f32
    %add3A_48 = vector.broadcast %add3A_47 : f32 to vector<2500x256xf32>
    %add3A_49 = arith.addf %add3A_48, %exp3A : vector<2500x256xf32>
    %div3A = arith.constant 1.000000e+00 : f32
    %div3A_50 = vector.broadcast %div3A : f32 to vector<2500x256xf32>
    %div3A_51 = arith.divf %div3A_50, %add3A_49 : vector<2500x256xf32>
    %mul3A = arith.mulf %add3A_44, %div3A_51 : vector<2500x256xf32>
    %get3A_52 = arith.constant 0 : index
    %get3A_53 = arith.constant 0 : index
    %get3A_54 = vector.load %arg4[%get3A_52, %get3A_53] : memref<256x128xf32, #tpu.memory_space<vmem>>, vector<256x128xf32>
    %dot_general3A_55 = arith.constant dense<0.000000e+00> : vector<2500x128xf32>
    %dot_general3A_56 = tpu.matmul %mul3A, %get3A_54, %dot_general3A_55 {dimension_numbers = #tpu.dot_dimension_numbers<[1], [0], [0], [1], [0, 0, 1, 1], [], []>, transpose_lhs_hint = false} : vector<2500x256xf32>, vector<256x128xf32>, vector<2500x128xf32> -> vector<2500x128xf32>
    %get3A_57 = arith.constant 0 : index
    %get3A_58 = arith.constant 0 : index
    %get3A_59 = vector.load %arg5[%get3A_57, %get3A_58] : memref<1x128xf32, #tpu.memory_space<vmem>>, vector<1x128xf32>
    %add3A_60 = vector.broadcast %get3A_59 : vector<1x128xf32> to vector<2500x128xf32>
    %add3A_61 = arith.addf %dot_general3A_56, %add3A_60 : vector<2500x128xf32>
    %iota3A = tpu.iota {dimensions = array<i32: 1>} : vector<2500x128xi32>
    %and3A = arith.constant 15 : i32
    %and3A_62 = vector.broadcast %and3A : i32 to vector<2500x128xi32>
    %and3A_63 = arith.andi %iota3A, %and3A_62 : vector<2500x128xi32>
    %lt3A = arith.constant 4 : i32
    %lt3A_64 = vector.broadcast %lt3A : i32 to vector<2500x128xi32>
    %lt3A_65 = arith.cmpi slt, %and3A_63, %lt3A_64 : vector<2500x128xi32>
    %roll3A = arith.constant 127 : i32
    %roll3A_66 = tpu.dynamic_rotate %add3A_61 by %roll3A dim 1 : vector<2500x128xf32>, i32 -> vector<2500x128xf32>
    %max3A = arith.maximumf %add3A_61, %roll3A_66 : vector<2500x128xf32>
    %roll3A_67 = arith.constant 126 : i32
    %roll3A_68 = tpu.dynamic_rotate %max3A by %roll3A_67 dim 1 : vector<2500x128xf32>, i32 -> vector<2500x128xf32>
    %max3A_69 = arith.maximumf %max3A, %roll3A_68 : vector<2500x128xf32>
    %roll3A_70 = arith.constant 4 : i32
    %roll3A_71 = tpu.dynamic_rotate %max3A_69 by %roll3A_70 dim 1 : vector<2500x128xf32>, i32 -> vector<2500x128xf32>
    %max3A_72 = arith.maximumf %max3A_69, %roll3A_71 : vector<2500x128xf32>
    %sub3A = arith.subf %add3A_61, %max3A_72 : vector<2500x128xf32>
    %exp3A_73 = math.exp %sub3A : vector<2500x128xf32>
    %jit3A = arith.constant 0.000000e+00 : f32
    %broadcast_in_dim3A = vector.broadcast %jit3A : f32 to vector<2500x128xf32>
    %select_n3A = arith.select %lt3A_65, %exp3A_73, %broadcast_in_dim3A : vector<2500x128xi1>, vector<2500x128xf32>
    %roll3A_74 = arith.constant 127 : i32
    %roll3A_75 = tpu.dynamic_rotate %select_n3A by %roll3A_74 dim 1 : vector<2500x128xf32>, i32 -> vector<2500x128xf32>
    %add3A_76 = arith.addf %select_n3A, %roll3A_75 : vector<2500x128xf32>
    %roll3A_77 = arith.constant 126 : i32
    %roll3A_78 = tpu.dynamic_rotate %add3A_76 by %roll3A_77 dim 1 : vector<2500x128xf32>, i32 -> vector<2500x128xf32>
    %add3A_79 = arith.addf %add3A_76, %roll3A_78 : vector<2500x128xf32>
    %roll3A_80 = arith.constant 4 : i32
    %roll3A_81 = tpu.dynamic_rotate %add3A_79 by %roll3A_80 dim 1 : vector<2500x128xf32>, i32 -> vector<2500x128xf32>
    %add3A_82 = arith.addf %add3A_79, %roll3A_81 : vector<2500x128xf32>
    %div3A_83 = arith.divf %select_n3A, %add3A_82 : vector<2500x128xf32>
    %reshape3A = vector.shape_cast %div3A_83 : vector<2500x128xf32> to vector<1x2500x128xf32>
    %swap3A = arith.constant 0 : index
    %swap3A_84 = arith.constant 0 : index
    %swap3A_85 = arith.constant 0 : index
    %swap3A_86 = vector.load %arg6[%swap3A, %swap3A_84, %swap3A_85] : memref<1x2500x128xf32, #tpu.memory_space<vmem>>, vector<1x2500x128xf32>
    tpu.vector_store %arg6[%swap3A, %swap3A_84, %swap3A_85], %reshape3A {strides = array<i32>} : memref<1x2500x128xf32, #tpu.memory_space<vmem>>, vector<1x2500x128xf32>,
    return
  }
  func.func @transform_0(%arg0: i32) -> (i32, i32) {
    %c0_i32 = arith.constant 0 : i32
    %c0_i32_0 = arith.constant 0 : i32
    return %arg0, %c0_i32 : i32, i32
  }
  func.func @transform_1(%arg0: i32) -> (i32, i32) {
    %c0_i32 = arith.constant 0 : i32
    %c0_i32_0 = arith.constant 0 : i32
    %c0_i32_1 = arith.constant 0 : i32
    return %c0_i32, %c0_i32_0 : i32, i32
  }
  func.func @transform_2(%arg0: i32) -> (i32, i32) {
    %c0_i32 = arith.constant 0 : i32
    %c0_i32_0 = arith.constant 0 : i32
    %c0_i32_1 = arith.constant 0 : i32
    return %c0_i32, %c0_i32_0 : i32, i32
  }
  func.func @transform_3(%arg0: i32) -> (i32, i32) {
    %c0_i32 = arith.constant 0 : i32
    %c0_i32_0 = arith.constant 0 : i32
    %c0_i32_1 = arith.constant 0 : i32
    return %c0_i32, %c0_i32_0 : i32, i32
  }
  func.func @transform_4(%arg0: i32) -> (i32, i32) {
    %c0_i32 = arith.constant 0 : i32
    %c0_i32_0 = arith.constant 0 : i32
    %c0_i32_1 = arith.constant 0 : i32
    return %c0_i32, %c0_i32_0 : i32, i32
  }
  func.func @transform_5(%arg0: i32) -> (i32, i32, i32) {
    %c0_i32 = arith.constant 0 : i32
    %c0_i32_0 = arith.constant 0 : i32
    %c0_i32_1 = arith.constant 0 : i32
    return %arg0, %c0_i32, %c0_i32_0 : i32, i32, i32
  }
}

module attributes {stable_mosaic.version = 14 : i64} {
  func.func @body(%arg0: memref<1024x512xf32, #tpu.memory_space<vmem>>, %arg1: memref<512x128xf32, #tpu.memory_space<vmem>>, %arg2: memref<1x128xf32, #tpu.memory_space<vmem>>, %arg3: memref<1024x128xf32, #tpu.memory_space<vmem>>) attributes {dimension_semantics = [], scalar_prefetch = 0 : i64, scratch_operands = 0 : i64, tpu.core_type = #tpu.core_type<tc>} {
    %get3A = arith.constant 0 : index
    %get3A_0 = arith.constant 0 : index
    %get3A_1 = vector.load %arg0[%get3A, %get3A_0] : memref<1024x512xf32, #tpu.memory_space<vmem>>, vector<1024x512xf32>
    %get3A_2 = arith.constant 0 : index
    %get3A_3 = arith.constant 0 : index
    %get3A_4 = vector.load %arg1[%get3A_2, %get3A_3] : memref<512x128xf32, #tpu.memory_space<vmem>>, vector<512x128xf32>
    %dot_general3A = arith.constant dense<0.000000e+00> : vector<1024x128xf32>
    %dot_general3A_5 = tpu.matmul %get3A_1, %get3A_4, %dot_general3A {dimension_numbers = #tpu.dot_dimension_numbers<[1], [0], [0], [1], [0, 0, 1, 1], [], []>, transpose_lhs_hint = false} : vector<1024x512xf32>, vector<512x128xf32>, vector<1024x128xf32> -> vector<1024x128xf32>
    %get3A_6 = arith.constant 0 : index
    %get3A_7 = arith.constant 0 : index
    %get3A_8 = vector.load %arg2[%get3A_6, %get3A_7] : memref<1x128xf32, #tpu.memory_space<vmem>>, vector<1x128xf32>
    %add3A = vector.broadcast %get3A_8 : vector<1x128xf32> to vector<1024x128xf32>
    %add3A_9 = arith.addf %dot_general3A_5, %add3A : vector<1024x128xf32>
    %neg3A = arith.constant 0.000000e+00 : f32
    %neg3A_10 = vector.broadcast %neg3A : f32 to vector<1024x128xf32>
    %neg3A_11 = arith.subf %neg3A_10, %add3A_9 : vector<1024x128xf32>
    %exp3A = math.exp %neg3A_11 : vector<1024x128xf32>
    %add3A_12 = arith.constant 1.000000e+00 : f32
    %add3A_13 = vector.broadcast %add3A_12 : f32 to vector<1024x128xf32>
    %add3A_14 = arith.addf %add3A_13, %exp3A : vector<1024x128xf32>
    %div3A = arith.constant 1.000000e+00 : f32
    %div3A_15 = vector.broadcast %div3A : f32 to vector<1024x128xf32>
    %div3A_16 = arith.divf %div3A_15, %add3A_14 : vector<1024x128xf32>
    %mul3A = arith.mulf %add3A_9, %div3A_16 : vector<1024x128xf32>
    %swap3A = arith.constant 0 : index
    %swap3A_17 = arith.constant 0 : index
    %swap3A_18 = vector.load %arg3[%swap3A, %swap3A_17] : memref<1024x128xf32, #tpu.memory_space<vmem>>, vector<1024x128xf32>
    tpu.vector_store %arg3[%swap3A, %swap3A_17], %mul3A {strides = array<i32>} : memref<1024x128xf32, #tpu.memory_space<vmem>>, vector<1024x128xf32>,
    return
  }
}

</mosaic_0001>

<sc_bundles>
// kernel: kernel.5.cloned.1.call-start
scs
__scs_entry_jumppad:
0x0: {  	(pc) =	sbr.rel $0x88, $3  }
0x1: {  	(tag) =	ssettag $0x0;
	lr =	simm.s32 $0x1  }
0x2: {  	[smem:$0x3F99] =	sst lr;
	_ =	strace $0xD0000000  }
0x3: {  	_ = 	snop  }
0x4: {  	_ = 	snop  }
0x5: {  	_ = 	snop  }
0x6: {  	_ = 	snop  }
0x7: {  	_ = 	snop  }
__scs_overlays_trampoline_lowered:
0x8: {  	[smem:$0x3FA8] =	sst s0  }
0x9: {  	[smem:$0x3FA9] =	sst s1  }
0xa: {  	[smem:$0x3FAA] =	sst s2  }
0xb: {  	[smem:$0x3FAB] =	sst s3  }
0xc: {  	[smem:$0x3FAC] =	sst s4  }
0xd: {  	[smem:$0x3FAD] =	sst s5  }
0xe: {  	[smem:$0x3FAE] =	sst s6  }
0xf: {  	[smem:$0x3FAF] =	sst s7  }
0x10: {  	[smem:$0x3FB0] =	sst s8  }
0x11: {  	[smem:$0x3FB1] =	sst s9;
	s0 =	simm.s32 @!p0 $0x0  }
0x12: {  	s1 =	sld [smem:$0x3F97];
	s0 =	simm.s32 @p0 $0x1  }
0x13: {  	[smem:$0x3FB2] =	sst s0;
	s0 =	simm.s32 @!p1 $0x0  }
0x14: {  	s2 =	sld [smem:$0x3F96];
	s0 =	simm.s32 @p1 $0x1  }
0x15: {  	[smem:$0x3FB3] =	sst s0;
	s0 =	simm.s32 @!p2 $0x0  }
0x16: {  	s3 =	sld [smem:$0x3FDB];
	s0 =	simm.s32 @p2 $0x1  }
0x17: {  	s4 =	simm.s32 $0x1BF5;
	[smem:$0x3FB5] =	sst s0  }
0x18: {  	s0 =	sld [smem:$0x3F98];
	_ =	swait.ge [sflag:s4], $0x0  }
0x19: {  	s7 =	sld [smem:$0x3F99]  }
0x1a: {  	s8 =	sadd.s32 $0xFFFFE003, lr  }
0x1b: {  	s9 =	sadd.s32 $0xFFFFFEF7, lr;
	s5 =	simm.s32 $0xFFFFFFFF;
	p2 =	slt.u32 s8, $0xFFFFF086  }
0x1c: {  	p1 =	slt.u32 s9, $0xF7A;
	s5 =	simm.s32 @!p2 $0x0  }
0x1d: {  	s5 =	simm.s32 @p1 $0x1;
	p0 =	seq.s32 s7, s2  }
0x1e: {  	s7 =	smul.u32 @!p0 $0xF7A, s2;
	p2 =	seq.s32 @!p0 s5, $0x0  }
0x1f: {  	s9 =	smul.u32 $0xF7A, s1;
	s8 =	simm.s32 @!p0 $0x1BF5;
	p2 =	por !p2, p0  }
0x20: {  	[sflag:s8] =	ssyncset.s32 @!p0 $0xFFFFF086;
	s6 =	sadd.s32 @!p0 s3, s7;
	s7 =	simm.s32 @!p0 $0x108  }
0x21: {  	s3 =	sadd.s32 s3, s9;
	s6 =	sadd.s32 @!p0 $0x88, s6;
	s7 =	simm.s32 @p2 $0x1082  }
0x22: {  	[simem:s7], [sflag:s8] =	dma.local @!p0 [hbm:s6], $0xF7A  }
0x23: {  	s9 =	sor.u32 $0xD0000000, s2;
	s6 =	simm.s32 $0x108;
	_ =	swait.ge @!p0 [sflag:s8], $0x0  }
0x24: {  	s3 =	sadd.s32 $0x88, s3;
	s6 =	simm.s32 @!p1 $0x1082;
	[sflag:s4] =	ssyncset.s32 $0xFFFFF086  }
0x25: {  	[simem:s6], [sflag:s4] =	dma.local [hbm:s3], $0xF7A  }
0x26: {  	[smem:$0x3F99] =	sst s1;
	(tag) =	ssettag s2;
	_ =	strace s9  }
0x27: {  	s1 =	sld [smem:$0x3FA9]  }
0x28: {  	s2 =	sld [smem:$0x3FAA]  }
0x29: {  	s4 =	sld [smem:$0x3FAC]  }
0x2a: {  	p0 =	seq.s32 s5, $0x0;
	s5 =	sld [smem:$0x3FAD]  }
0x2b: {  	s6 =	sld [smem:$0x3FAE]  }
0x2c: {  	s7 =	sld [smem:$0x3FAF]  }
0x2d: {  	s3 =	simm.s32 $0x108;
	s8 =	sld [smem:$0x3FB0]  }
0x2e: {  	s3 =	simm.s32 @!p0 $0x1082;
	s9 =	sld [smem:$0x3FB1]  }
0x2f: {  	lr =	sadd.s32 s0, s3;
	s0 =	sld [smem:$0x3FA8]  }
0x30: {  	s3 =	sld [smem:$0x3FAB]  }
0x31: {  	[smem:$0x3FB4] =	sst s10  }
0x32: {  	s10 =	sld [smem:$0x3FB2];
	_ =	sdelay $0x3  }
0x33: {  	p0 =	seq.s32 s10, $0x1;
	s10 =	sld [smem:$0x3FB4];
	_ =	sdelay $0x3  }
0x34: {  	[smem:$0x3FB4] =	sst s10  }
0x35: {  	s10 =	sld [smem:$0x3FB3];
	_ =	sdelay $0x3  }
0x36: {  	p1 =	seq.s32 s10, $0x1;
	s10 =	sld [smem:$0x3FB4];
	_ =	sdelay $0x3  }
0x37: {  	[smem:$0x3FB4] =	sst s10  }
0x38: {  	s10 =	sld [smem:$0x3FB5]  }
0x39: {  	_ = 	snop;
	(pc) =	sbr.ind lr, $3  }
0x3a: {  	_ = 	snop  }
0x3b: {  	_ = 	snop  }
0x3c: {  	p2 =	seq.s32 s10, $0x1;
	s10 =	sld [smem:$0x3FB4]  }
0x3d: {  	_ =	shalt  }
0x3e: {  	_ =	shalt  }
0x3f: {  	_ =	shalt  }
0x40: {  	_ =	shalt  }
0x41: {  	_ =	shalt  }
0x42: {  	_ =	shalt  }
0x43: {  	_ =	shalt  }
0x44: {  	_ =	shalt  }
0x45: {  	_ =	shalt  }
0x46: {  	_ =	shalt  }
0x47: {  	_ =	shalt  }
0x48: {  	_ =	shalt  }
0x49: {  	_ =	shalt  }
0x4a: {  	_ =	shalt  }
0x4b: {  	_ =	shalt  }
0x4c: {  	_ =	shalt  }
0x4d: {  	_ =	shalt  }
0x4e: {  	_ =	shalt  }
0x4f: {  	_ =	shalt  }
0x50: {  	_ =	shalt  }
0x51: {  	_ =	shalt  }
0x52: {  	_ =	shalt  }
0x53: {  	_ =	shalt  }
0x54: {  	_ =	shalt  }
0x55: {  	_ =	shalt  }
0x56: {  	_ =	shalt  }
0x57: {  	_ =	shalt  }
0x58: {  	_ =	shalt  }
0x59: {  	_ =	shalt  }
0x5a: {  	_ =	shalt  }
0x5b: {  	_ =	shalt  }
0x5c: {  	_ =	shalt  }
0x5d: {  	_ =	shalt  }
0x5e: {  	_ =	shalt  }
0x5f: {  	_ =	shalt  }
0x60: {  	_ =	shalt  }
0x61: {  	_ =	shalt  }
0x62: {  	_ =	shalt  }
0x63: {  	_ =	shalt  }
0x64: {  	_ =	shalt  }
0x65: {  	_ =	shalt  }
0x66: {  	_ =	shalt  }
0x67: {  	_ =	shalt  }
0x68: {  	_ =	shalt  }
0x69: {  	_ =	shalt  }
0x6a: {  	_ =	shalt  }
0x6b: {  	_ =	shalt  }
0x6c: {  	_ =	shalt  }
0x6d: {  	_ =	shalt  }
0x6e: {  	_ =	shalt  }
0x6f: {  	_ =	shalt  }
0x70: {  	_ =	shalt  }
0x71: {  	_ =	shalt  }
0x72: {  	_ =	shalt  }
0x73: {  	_ =	shalt  }
0x74: {  	_ =	shalt  }
0x75: {  	_ =	shalt  }
0x76: {  	_ =	shalt  }
0x77: {  	_ =	shalt  }
0x78: {  	_ =	shalt  }
0x79: {  	_ =	shalt  }
0x7a: {  	_ =	shalt  }
0x7b: {  	_ =	shalt  }
0x7c: {  	_ =	shalt  }
0x7d: {  	_ =	shalt  }
0x7e: {  	_ =	shalt  }
0x7f: {  	_ =	shalt  }
0x80: {  	_ =	shalt  }
0x81: {  	_ =	shalt  }
0x82: {  	_ =	shalt  }
0x83: {  	_ =	shalt  }
0x84: {  	_ =	shalt  }
0x85: {  	_ =	shalt  }
0x86: {  	_ =	shalt  }
0x87: {  	_ =	shalt  }
.Lfunc_end0:
.L_simem_size_0:
called_computation_lowered:
.L_overlay_start_0:
0x88: {  	s2 =	sld [smem:$0x3FD9]  }
0x89: {  	s3 =	sld [smem:$0x3FFE];
	_ =	sdelay $0x1  }
0x8a: {  	s1 =	srdreg.scid  }
0x8b: {  	s0 =	sand.u32 $0x1, s1  }
0x8c: {  	s17 =	sshll.u32 s0, $0xA;
	s2 =	sadd.s32 s3, s2  }
0x8d: {  	s2 =	sadd.s32 s2, s17  }
0x8e: {  	[smem:$0x3FC0] =	sst s2  }
0x8f: {  	_ = 	snop  }
0x90: {  	s2 =	sld [smem:$0x3FC9]  }
0x91: {  	s18 =	sld [smem:$0x3FD0];
	(tm) =	ssettm $0x1  }
0x92: {  	s4 =	sld [smem:$0x3FFB];
	_ =	sdelay $0x3  }
0x93: {  	_ =	strace s4  }
0x94: {  	s4 =	sld [smem:$0x3FFC];
	_ =	sdelay $0x3  }
0x95: {  	_ =	strace s4  }
0x96: {  	s4 =	sld [smem:$0x3FFD];
	_ =	sdelay $0x3  }
0x97: {  	_ =	strace s4  }
0x98: {  	_ =	strace $0x8FFFFFFF  }
0x99: {  	s19 =	sld [smem:$0x3FDB];
	_ =	sdelay $0x1  }
0x9a: {  	s5 =	simm.s32 $_scs_section_size  }
0x9b: {  	s6 =	simm.s32 $_size__tile_overlayer_lowered;
	s7 =	simm.s32 $_tile_overlayer_lowered  }
0x9c: {  	s22 =	simm.s32 $0x1BFF;
	s21 =	sshll.u32 s7, $0x1;
	s4 =	sadd.s32 s5, s19  }
0x9d: {  	s8 =	simm.s32 $0x0;
	s20 =	sshll.u32 s6, $0x1;
	s6 =	sadd.s32 s21, s4  }
0x9e: {  	[timem:s8], [sflag:s22] =	dma.local [hbm:s6], s20  }
0x9f: {  	_ =	swait.ge [sflag:s22], s20  }
0xa0: {  	s5 =	ssub.s32 $0x0, s20;
	[sflag:s22] =	ssyncset.done $0x0  }
0xa1: {  	[sflag:s22] =	ssyncadd.s32 s5;
	_ =	sdelay $0x1  }
0xa2: {  	s23 =	simm.s32 $0x1B8B  }
0xa3: {  	_ =	swait.ge [sflag:s23], $0x1  }
0xa4: {  	[sflag:s23] =	ssyncset.done $0x0  }
0xa5: {  	s25 =	simm.s32 $0x1B8E;
	s24 =	sld [smem:$0x3FFE];
	[sflag:s23] =	ssyncadd.s32 $0xFFFFFFFF  }
0xa6: {  	s26 =	simm.s32 $execute0_lowered;
	[smem:$0x3FD2] =	sst s25  }
0xa7: {  	s6 =	sshll.u32 s26, $0x1;
	_ =	strace $0x80000046;
	[dreg:$0x1] =	wrdreg $0xFFFFFFFF  }
0xa8: {  	s28 =	simm.s32 $_size_execute0_lowered;
	s4 =	sadd.s32 s4, s6;
	[dreg:$0x0] =	wrdreg $0x0  }
0xa9: {  	s6 =	sshll.u32 s28, $0x1;
	[dreg:$0x2] =	wrdreg s4  }
0xaa: {  	[dreg:$0x3] =	wrdreg s6  }
0xab: {  	[dreg:$0x4] =	wrdreg $0xC0  }
0xac: {  	_ =	task [dreg:s8], $0x5FFFF  }
0xad: {  	[dreg:$0x1] =	wrdreg $0xFFFFFFFF  }
0xae: {  	[dreg:$0x0] =	wrdreg $0x60  }
0xaf: {  	[dreg:$0x2] =	wrdreg s2  }
0xb0: {  	[dreg:$0x3] =	wrdreg s24  }
0xb1: {  	[dreg:$0x4] =	wrdreg s18  }
0xb2: {  	[dreg:$0x5] =	wrdreg $0x9  }
0xb3: {  	_ =	task.clear_ibuf [dreg:s8], $0x6FFFF;
	_ =	strace $0x90000046  }
0xb4: {  	s29 =	simm.s32 $0x9;
	_ =	strace $0x80000048  }
0xb5: {  	_ =	swait.ge [sflag:s29], $0x1  }
0xb6: {  	[sflag:s29] =	ssyncadd.s32 $0xFFFFFFFF  }
0xb7: {  	_ =	strace $0x90000048  }
0xb8: {  	_ =	sfence  }
0xb9: {  	s30 =	sld [smem:$0x0];
	_ =	sdelay $0x2  }
0xba: {  	s31 =	sshll.u32 s1, $0xD;
	s1 =	sshrl.u32 s1, $0x2  }
0xbb: {  	s3 =	sand.u32 $0x4000, s31;
	s1 =	sadd.s32 s1, s30  }
0xbc: {  	s0 =	sor.u32 s3, s0;
	s1 =	sshll.u32 s1, $0x11  }
0xbd: {  	s0 =	sor.u32 s1, s0  }
0xbe: {  	s0 =	sadd.s32 $0x8F2B, s0  }
0xbf: {  	[sflag:s0] =	ssyncadd.remote.s32 $0x1  }
0xc0: {  	_ =	sfence.sel $0xFFFF  }
0xc1: {  	[dreg:$0x0] =	wrdreg $0xFFFFFFFF;
	(pc) =	sbr.abs _section_cstart, $3  }
0xc2: {  	[dreg:$0x1] =	wrdreg $0xFFFFFFFF  }
0xc3: {  	_ =	task.clear_ibuf [dreg:s8], $0x2FFFF;
	_ =	strace $0x9FFFFFFF  }
0xc4: {  	(tm) =	ssettm $0x7FFFFFFF  }
0xc5: {  	_ =	shalt  }
tec
execute0_lowered:
.L_overlay_start_1:
0x0: {  	(tag) =	ssettag $0x1  }
0x1: {  	s1 =	rddreg [dreg:$0x0]  }
0x2: {  	s2 =	srdreg.scid;
	s6 =	rddreg [dreg:$0x1]  }
0x3: {  	s0 =	stileid.u32;
	s7 =	rddreg [dreg:$0x2];
	s3 =	simm.s32 $0x0  }
0x4: {  	s12 =	simm.s32 $0x60;
	s13 =	simm.s32 $0x1800;
	s14 =	simm.s32 $0x7800  }
0x5: {  	s15 =	simm.s32 $0x4800;
	s16 =	simm.s32 $0x7E00;
	s17 =	simm.s32 $0x1  }
0x6: {  	s18 =	simm.s32 $0x3;
	s19 =	simm.s32 $0x8400;
	s20 =	simm.s32 $0x2  }
0x7: {  	s21 =	simm.s32 $0x4;
	s22 =	simm.s32 $0x0;
	s5 =	sand.u32 $0x1, s2  }
0x8: {  	s4 =	sshll.u32 s0, $0x6;
	s2 =	rddreg [dreg:$0x3];
	s8 =	sshll.u32 s5, $0x5  }
0x9: {  	[smem:$0x7FF] =	sst s3;
	s9 =	ssub.s32 $0x2, s5;
	s4 =	sor.u32 s8, s4  }
0xa: {  	_ =	strace $0x80000047;
	s11 =	sshrl.u32 s9, $0x1;
	s8 =	smul.u32 $0xC, s4  }
0xb: {  	s5 =	sadd.s32 $0x800, s6;
	s9 =	ssub.s32 s9, s11;
	s11 =	simm.s32 $0xC00  }
0xc: {  	v0 =	vimm.s32 $0x0;
	s9 =	smax.u32 s9, $0x1;
	s10 =	sadd.s32 s8, s6;
	s6 =	sadd.s32 $0x34600, s6  }
0xd: {  	v1 =	vimm.s32 $0x1;
	v2 =	vimm.s32 $0x2;
	v3 =	vimm.s32 $0x3;
	s7 =	sadd.s32 s7, s8;
	s8 =	sadd.s32 $0x31600, s10;
	s10 =	simm.s32 $0x5  }
.LBB2_1:
0xe: {  	[tilespmem:s3], [sflag:$0x5] =	stream.linear.gather [hbm4b:s7+s3], $0xC00, $0x38;
	[tilespmem:$0x8600] =	vst v63  }
0xf: {  	_ =	swait.ge [sflag:s10], $0xC00  }
0x10: {  	[sflag:s10] =	ssyncset.done $0x0  }
0x11: {  	[sflag:s10] =	ssyncadd.s32 $0xFFFFF400  }
0x12: {  	[tilespmem:s11], [sflag:$0x5] =	stream.linear.gather [hbm4b:s8+s3], $0xC00, $0x38;
	[tilespmem:$0x8600] =	vst v63  }
0x13: {  	_ =	swait.ge [sflag:s10], $0xC00  }
0x14: {  	[sflag:s10] =	ssyncset.done $0x0  }
0x15: {  	[sflag:s10] =	ssyncadd.s32 $0xFFFFF400  }
0x16: {  	[tilespmem:s13], [sflag:$0x1] =	stream.indirect.gather [hbm4b:s1+s12], $0x80, s3, s12, $0xb8;
	[tilespmem:$0x8600] =	vst v63  }
0x17: {  	s23 =	simm.s32 $0x0  }
0x18: {  	[tilespmem:s14], [sflag:$0x3] =	stream.indirect.gather [hbm4b:s5+s12], $0x10, s11, s12, $0xb8;
	[tilespmem:$0x8600] =	vst v63  }
.LBB2_2:
0x19: {  	s24 =	sshllo.u32 s23, $0x1  }
0x1a: {  	s25 =	smul.u32 $0x60, s24;
	_ =	sdelay $0x1  }
0x1b: {  	[tilespmem:s15], [sflag:$0x2] =	stream.indirect.gather [hbm4b:s1+s12], $0x80, s25, s12, $0xb8;
	[tilespmem:$0x8600] =	vst v63  }
0x1c: {  	s25 =	sadd.s32 $0xC00, s25  }
0x1d: {  	[tilespmem:s16], [sflag:$0x4] =	stream.indirect.gather [hbm4b:s5+s12], $0x10, s25, s12, $0xb8;
	[tilespmem:$0x8600] =	vst v63  }
0x1e: {  	_ =	swait.ge [sflag:s17], $0x3000  }
0x1f: {  	[sflag:s17] =	ssyncset.done $0x0  }
0x20: {  	[sflag:s17] =	ssyncadd.s32 $0xFFFFD000  }
0x21: {  	_ =	swait.ge [sflag:s18], $0x600  }
0x22: {  	[sflag:s18] =	ssyncset.done $0x0  }
0x23: {  	s31 =	simm.s32 $0x0;
	[sflag:s18] =	ssyncadd.s32 $0xFFFFFA00  }
0x24: {  	s28 =	simm.s32 $0x1840;
	v5 =	vld [tilespmem:s31+$0x7800]  }
0x25: {  	v4 =	vld [tilespmem:s28+$0xFFFFFFF0]  }
0x26: {  	v22 =	vld [tilespmem:s28+$0x30]  }
0x27: {  	v7 =	vimm.f32 $0.0e+00;
	v34 =	vimm.f32 $0.0e+00;
	v19 =	vld [tilespmem:s28+$0xFFFFFFC0]  }
0x28: {  	v29 =	vimm.f32 $0.0e+00;
	v40 =	vimm.f32 $0.0e+00;
	v32 =	vimm.f32 $0.0e+00;
	v9 =	vld [tilespmem:s28+$0xFFFFFFE0]  }
0x29: {  	v41 =	vimm.f32 $0.0e+00;
	v21 =	vimm.f32 $0.0e+00;
	v6 =	vld [tilespmem:s28+$0xFFFFFFD0];
	v26 =	vperm.xlane v5, v0  }
0x2a: {  	v23 =	vimm.f32 $0.0e+00;
	v30 =	vperm.xlane v5, v1;
	v8 =	vperm.xlane v5, v2  }
0x2b: {  	v39 =	vimm.f32 $0.0e+00;
	v15 =	vld [tilespmem:s28+$0x0];
	v12 =	vperm.xlane v5, v3;
	v14 =	vmul.f32 v4, v26  }
0x2c: {  	v38 =	vimm.f32 $0.0e+00;
	v5 =	vmul.f32 v22, v30;
	v11 =	vmul.f32 v19, v30  }
0x2d: {  	v43 =	vimm.f32 $0.0e+00;
	v13 =	vmul.f32 v9, v26;
	v16 =	vmul.f32 v19, v12  }
0x2e: {  	v20 =	vimm.f32 $0.0e+00;
	v44 =	vld [tilespmem:s28+$0x10];
	v17 =	vmul.f32 v6, v26;
	v18 =	vmul.f32 v6, v30  }
0x2f: {  	v28 =	vimm.f32 $0.0e+00;
	v50 =	vmul.f32 v6, v8;
	v46 =	vmul.f32 v9, v30  }
0x30: {  	v49 =	vimm.f32 $0.0e+00;
	v45 =	vmul.f32 v9, v12;
	v54 =	vmul.f32 v15, v26  }
0x31: {  	v37 =	vimm.f32 $0.0e+00;
	v55 =	vmul.f32 v4, v30;
	v35 =	vmul.f32 v4, v12  }
0x32: {  	v36 =	vimm.f32 $0.0e+00;
	v51 =	vmul.f32 v15, v30;
	v47 =	vmul.f32 v15, v8  }
0x33: {  	v48 =	vimm.f32 $0.0e+00;
	v42 =	vmul.f32 v15, v12;
	v56 =	vmul.f32 v44, v26  }
0x34: {  	v57 =	vmul.f32 v44, v30;
	v53 =	vmul.f32 v44, v8;
	v10 =	vadd.f32 v5, v7  }
0x35: {  	v15 =	vimm.f32 $0.0e+00;
	v24 =	vadd.f32 v13, v7;
	v27 =	vadd.f32 v17, v7  }
0x36: {  	v52 =	vld [tilespmem:s28+$0x20];
	v17 =	vmul.f32 v6, v12;
	v6 =	vmul.f32 v22, v8;
	v25 =	vadd.f32 v11, v7  }
0x37: {  	v5 =	vmul.f32 v19, v8;
	v33 =	vadd.f32 v14, v7;
	v14 =	vadd.f32 v16, v7  }
0x38: {  	v31 =	vadd.f32 v18, v7;
	v11 =	vadd.f32 v6, v7;
	v6 =	vmul.f32 v22, v12  }
0x39: {  	v16 =	vimm.f32 $0.0e+00;
	v18 =	vimm.f32 $0.0e+00;
	v13 =	vadd.f32 v5, v7  }
0x3a: {  	s26 =	simm.s32 $0x40;
	s25 =	sshll.u32 s23, $0x1;
	s28 =	simm.s32 $0x18C0;
	v5 =	vadd.f32 v17, v7;
	v17 =	vimm.f32 $0.0e+00;
	v6 =	vadd.f32 v6, v7  }
.LBB2_3:
0x3b: {  	s29 =	sshra.s32 s26, $0x2;
	v58 =	vld [tilespmem:s28+$0x0];
	p0 =	sne.s32 s26, $0x17C0;
	s26 =	sadd.s32 $0x40, s26;
	v7 =	vadd.f32 v50, v7;
	v44 =	vmul.f32 v44, v12;
	v50 =	vmul.f32 v52, v26  }
0x3c: {  	v34 =	vadd.f32 v55, v34;
	v30 =	vmul.f32 v52, v30;
	v59 =	vld [tilespmem:s28+$0xFFFFFFF0];
	v29 =	vadd.f32 v57, v29  }
0x3d: {  	v17 =	vadd.f32 v45, v17;
	v55 =	vld [tilespmem:s28+$0x30];
	v15 =	vadd.f32 v44, v15;
	v44 =	vmul.f32 v52, v8  }
0x3e: {  	v40 =	vadd.f32 v54, v40;
	v12 =	vmul.f32 v52, v12;
	v32 =	vadd.f32 v30, v32;
	v45 =	vld [tilespmem:s28+$0xFFFFFFE0]  }
0x3f: {  	v41 =	vadd.f32 v56, v41;
	v52 =	vld [tilespmem:s29+$0x7800];
	v21 =	vadd.f32 v44, v21;
	v44 =	vmul.f32 v22, v26  }
0x40: {  	v56 =	vmul.f32 v19, v26;
	v23 =	vadd.f32 v53, v23;
	v16 =	vadd.f32 v12, v16;
	v54 =	vld [tilespmem:s28+$0xFFFFFFD0]  }
0x41: {  	v39 =	vadd.f32 v46, v39;
	v46 =	vmul.f32 v9, v8;
	v18 =	vadd.f32 v42, v18;
	v19 =	vld [tilespmem:s28+$0xFFFFFFC0]  }
0x42: {  	v42 =	vmul.f32 v4, v8;
	v38 =	vadd.f32 v51, v38;
	v43 =	vadd.f32 v50, v43;
	v4 =	vmovc v59  }
0x43: {  	v20 =	vadd.f32 v35, v20;
	v28 =	vadd.f32 v47, v28;
	v22 =	vmovc v55;
	v9 =	vmov v45  }
0x44: {  	v49 =	vadd.f32 v56, v49;
	v26 =	vperm.xlane v52, v0;
	v30 =	vperm.xlane v52, v1  }
0x45: {  	v37 =	vadd.f32 v46, v37;
	v8 =	vperm.xlane v52, v2;
	v12 =	vperm.xlane v52, v3  }
0x46: {  	v36 =	vadd.f32 v42, v36;
	v35 =	vmul.f32 v4, v26;
	v45 =	vmul.f32 v22, v30  }
0x47: {  	v48 =	vadd.f32 v44, v48;
	v42 =	vmul.f32 v19, v30;
	v46 =	vmul.f32 v9, v26  }
0x48: {  	v47 =	vmul.f32 v19, v12;
	v44 =	vmul.f32 v54, v26;
	v10 =	vadd.f32 v45, v10  }
0x49: {  	v53 =	vmul.f32 v54, v30;
	v45 =	vmul.f32 v19, v8;
	v24 =	vadd.f32 v46, v24  }
0x4a: {  	v50 =	vmul.f32 v54, v8;
	v51 =	vmul.f32 v54, v12;
	v27 =	vadd.f32 v44, v27  }
0x4b: {  	v56 =	vmul.f32 v22, v8;
	v46 =	vmul.f32 v9, v30;
	v13 =	vadd.f32 v45, v13;
	v44 =	vld [tilespmem:s28+$0x10]  }
0x4c: {  	v54 =	vmul.f32 v58, v26;
	v5 =	vadd.f32 v51, v5;
	v45 =	vmul.f32 v9, v12  }
.Ltmp0:
0x4d: {  	v55 =	vmul.f32 v4, v30;
	v25 =	vadd.f32 v42, v25;
	v11 =	vadd.f32 v56, v11;
	v52 =	vld [tilespmem:s28+$0x20];
	(pc) =	sbr.rel @p0 .LBB2_3-.Ltmp0, $4  }
0x4e: {  	v57 =	vmul.f32 v22, v12;
	v33 =	vadd.f32 v35, v33;
	v35 =	vmul.f32 v4, v12  }
0x4f: {  	v14 =	vadd.f32 v47, v14;
	v51 =	vmul.f32 v58, v30;
	v47 =	vmul.f32 v58, v8  }
0x50: {  	v42 =	vmul.f32 v58, v12;
	v6 =	vadd.f32 v57, v6;
	v56 =	vmul.f32 v44, v26  }
0x51: {  	v31 =	vadd.f32 v53, v31;
	s28 =	sadd.s32 $0x80, s28;
	v57 =	vmul.f32 v44, v30;
	v53 =	vmul.f32 v44, v8  }
0x52: {  	[tilespmem:$0x8410] =	vst v27  }
0x53: {  	[tilespmem:$0x8420] =	vst v24  }
0x54: {  	[tilespmem:$0x8430] =	vst v33  }
0x55: {  	[tilespmem:$0x8480] =	vst v25  }
0x56: {  	[tilespmem:$0x84F0] =	vst v10  }
0x57: {  	[tilespmem:$0x8500] =	vst v13  }
0x58: {  	[tilespmem:$0x8570] =	vst v11  }
0x59: {  	[tilespmem:$0x8580] =	vst v14  }
0x5a: {  	[tilespmem:$0x8590] =	vst v5  }
0x5b: {  	v27 =	vadd.f32 v54, v40;
	[tilespmem:$0x85F0] =	vst v6  }
0x5c: {  	v24 =	vadd.f32 v56, v41;
	[tilespmem:$0x8490] =	vst v31  }
0x5d: {  	v19 =	vmul.f32 v19, v26;
	v25 =	vadd.f32 v51, v38;
	[tilespmem:$0x8440] =	vst v27  }
0x5e: {  	v22 =	vmul.f32 v22, v26;
	v7 =	vadd.f32 v50, v7;
	[tilespmem:$0x8450] =	vst v24  }
0x5f: {  	v9 =	vmul.f32 v9, v8;
	v19 =	vadd.f32 v19, v49;
	[tilespmem:$0x84C0] =	vst v25  }
0x60: {  	v4 =	vmul.f32 v4, v8;
	v22 =	vadd.f32 v22, v48;
	[tilespmem:$0x8510] =	vst v7  }
0x61: {  	v9 =	vadd.f32 v9, v37;
	[tilespmem:$0x8400] =	vst v19  }
0x62: {  	v5 =	vmul.f32 v52, v12;
	v4 =	vadd.f32 v4, v36;
	[tilespmem:$0x8470] =	vst v22  }
0x63: {  	v7 =	vmul.f32 v52, v8;
	v8 =	vadd.f32 v47, v28;
	[tilespmem:$0x8520] =	vst v9  }
0x64: {  	v5 =	vadd.f32 v5, v16;
	[tilespmem:$0x8530] =	vst v4  }
0x65: {  	v22 =	vadd.f32 v55, v34;
	[tilespmem:$0x8540] =	vst v8  }
0x66: {  	v9 =	vadd.f32 v53, v23;
	[tilespmem:$0x85E0] =	vst v5  }
0x67: {  	v19 =	vmul.f32 v52, v26;
	v4 =	vadd.f32 v7, v21;
	[tilespmem:$0x84B0] =	vst v22  }
0x68: {  	v24 =	vmul.f32 v52, v30;
	v8 =	vadd.f32 v35, v20;
	[tilespmem:$0x8550] =	vst v9  }
0x69: {  	v19 =	vadd.f32 v19, v43;
	[tilespmem:$0x8560] =	vst v4  }
0x6a: {  	v22 =	vadd.f32 v24, v32;
	[tilespmem:$0x85B0] =	vst v8  }
0x6b: {  	v4 =	vadd.f32 v45, v17;
	[tilespmem:$0x8460] =	vst v19  }
0x6c: {  	v7 =	vmul.f32 v44, v12;
	v9 =	vadd.f32 v42, v18;
	[tilespmem:$0x84E0] =	vst v22  }
0x6d: {  	v19 =	vadd.f32 v46, v39;
	[tilespmem:$0x85A0] =	vst v4  }
0x6e: {  	v4 =	vadd.f32 v7, v15;
	[tilespmem:$0x85C0] =	vst v9  }
0x6f: {  	s25 =	sadd.s32 s4, s25;
	[tilespmem:$0x84A0] =	vst v19;
	v19 =	vadd.f32 v57, v29  }
0x70: {  	s25 =	sshll.u32 s25, $0x6;
	[tilespmem:$0x85D0] =	vst v4  }
0x71: {  	p0 =	seq.s32 s23, $0xF;
	s25 =	sadd.s32 s6, s25;
	[tilespmem:$0x84D0] =	vst v19  }
0x72: {  	[hbm4b:s25+s3] =	stream.linear.scatter [tilespmem:s19], [sflag:$0x5], $0x200, $0x38;
	[tilespmem:$0x8600] =	vst v63  }
0x73: {  	s25 =	smul.u32 @!p0 $0xC0, s23;
	_ =	swait.ge [sflag:s10], $0x200  }
0x74: {  	s28 =	simm.s32 @!p0 $0x60;
	[sflag:s10] =	ssyncset.done $0x0  }
0x75: {  	s29 =	simm.s32 @!p0 $0x1800;
	s26 =	sadd.s32 @!p0 $0xC0, s25;
	[sflag:s10] =	ssyncadd.s32 $0xFFFFFE00  }
0x76: {  	[tilespmem:s29], [sflag:$0x1] =	stream.indirect.gather @!p0 [hbm4b:s1+s28], $0x80, s26, s28, $0xb8;
	[tilespmem:$0x8600] =	vst v63  }
0x77: {  	s25 =	sadd.s32 @!p0 $0xCC0, s25;
	s26 =	simm.s32 @!p0 $0x7800  }
0x78: {  	[tilespmem:s26], [sflag:$0x3] =	stream.indirect.gather @!p0 [hbm4b:s5+s28], $0x10, s25, s28, $0xb8;
	[tilespmem:$0x8600] =	vst v63  }
0x79: {  	_ =	swait.ge [sflag:s20], $0x3000  }
0x7a: {  	[sflag:s20] =	ssyncset.done $0x0  }
0x7b: {  	[sflag:s20] =	ssyncadd.s32 $0xFFFFD000  }
0x7c: {  	_ =	swait.ge [sflag:s21], $0x600  }
0x7d: {  	[sflag:s21] =	ssyncset.done $0x0  }
0x7e: {  	s31 =	simm.s32 $0x0;
	[sflag:s21] =	ssyncadd.s32 $0xFFFFFA00  }
0x7f: {  	s30 =	simm.s32 $0x4840;
	v5 =	vld [tilespmem:s31+$0x7E00]  }
0x80: {  	v4 =	vld [tilespmem:s30+$0xFFFFFFF0]  }
0x81: {  	v22 =	vld [tilespmem:s30+$0x30]  }
0x82: {  	v40 =	vimm.f32 $0.0e+00;
	v41 =	vimm.f32 $0.0e+00;
	v19 =	vld [tilespmem:s30+$0xFFFFFFC0]  }
0x83: {  	v38 =	vimm.f32 $0.0e+00;
	v28 =	vimm.f32 $0.0e+00;
	v49 =	vimm.f32 $0.0e+00;
	v9 =	vld [tilespmem:s30+$0xFFFFFFE0]  }
0x84: {  	v37 =	vimm.f32 $0.0e+00;
	v36 =	vimm.f32 $0.0e+00;
	v6 =	vld [tilespmem:s30+$0xFFFFFFD0];
	v26 =	vperm.xlane v5, v0  }
0x85: {  	v48 =	vimm.f32 $0.0e+00;
	v30 =	vperm.xlane v5, v1;
	v8 =	vperm.xlane v5, v2  }
0x86: {  	v34 =	vimm.f32 $0.0e+00;
	v15 =	vld [tilespmem:s30+$0x0];
	v12 =	vperm.xlane v5, v3;
	v14 =	vmul.f32 v4, v26  }
0x87: {  	v21 =	vimm.f32 $0.0e+00;
	v5 =	vmul.f32 v22, v30;
	v11 =	vmul.f32 v19, v30  }
0x88: {  	v23 =	vimm.f32 $0.0e+00;
	v13 =	vmul.f32 v9, v26;
	v16 =	vmul.f32 v19, v12  }
0x89: {  	v20 =	vimm.f32 $0.0e+00;
	v44 =	vld [tilespmem:s30+$0x10];
	v17 =	vmul.f32 v6, v26;
	v18 =	vmul.f32 v6, v30  }
0x8a: {  	v32 =	vimm.f32 $0.0e+00;
	v50 =	vmul.f32 v6, v8;
	v46 =	vmul.f32 v9, v30  }
0x8b: {  	v43 =	vimm.f32 $0.0e+00;
	v45 =	vmul.f32 v9, v12;
	v54 =	vmul.f32 v15, v26  }
0x8c: {  	v7 =	vimm.f32 $0.0e+00;
	v55 =	vmul.f32 v4, v30;
	v35 =	vmul.f32 v4, v12  }
0x8d: {  	v39 =	vimm.f32 $0.0e+00;
	v51 =	vmul.f32 v15, v30;
	v47 =	vmul.f32 v15, v8  }
0x8e: {  	v29 =	vimm.f32 $0.0e+00;
	v42 =	vmul.f32 v15, v12;
	v56 =	vmul.f32 v44, v26  }
0x8f: {  	v57 =	vmul.f32 v44, v30;
	v53 =	vmul.f32 v44, v8;
	v10 =	vadd.f32 v5, v7  }
0x90: {  	v15 =	vimm.f32 $0.0e+00;
	v24 =	vadd.f32 v13, v7;
	v27 =	vadd.f32 v17, v7  }
0x91: {  	v52 =	vld [tilespmem:s30+$0x20];
	v17 =	vmul.f32 v6, v12;
	v6 =	vmul.f32 v22, v8;
	v25 =	vadd.f32 v11, v7  }
0x92: {  	v5 =	vmul.f32 v19, v8;
	v33 =	vadd.f32 v14, v7;
	v14 =	vadd.f32 v16, v7  }
0x93: {  	v31 =	vadd.f32 v18, v7;
	v11 =	vadd.f32 v6, v7;
	v6 =	vmul.f32 v22, v12  }
0x94: {  	v16 =	vimm.f32 $0.0e+00;
	v18 =	vimm.f32 $0.0e+00;
	v13 =	vadd.f32 v5, v7  }
0x95: {  	s25 =	simm.s32 $0x40;
	s26 =	simm.s32 $0x48C0;
	v5 =	vadd.f32 v17, v7;
	v17 =	vimm.f32 $0.0e+00;
	v6 =	vadd.f32 v6, v7  }
.LBB2_5:
0x96: {  	s28 =	sshra.s32 s25, $0x2;
	v58 =	vld [tilespmem:s26+$0x0];
	p0 =	sne.s32 s25, $0x17C0;
	s25 =	sadd.s32 $0x40, s25;
	v7 =	vadd.f32 v50, v7;
	v44 =	vmul.f32 v44, v12;
	v50 =	vmul.f32 v52, v26  }
0x97: {  	v34 =	vadd.f32 v55, v34;
	v30 =	vmul.f32 v52, v30;
	v59 =	vld [tilespmem:s26+$0xFFFFFFF0];
	v29 =	vadd.f32 v57, v29  }
0x98: {  	v17 =	vadd.f32 v45, v17;
	v55 =	vld [tilespmem:s26+$0x30];
	v15 =	vadd.f32 v44, v15;
	v44 =	vmul.f32 v52, v8  }
0x99: {  	v40 =	vadd.f32 v54, v40;
	v12 =	vmul.f32 v52, v12;
	v32 =	vadd.f32 v30, v32;
	v45 =	vld [tilespmem:s26+$0xFFFFFFE0]  }
0x9a: {  	v41 =	vadd.f32 v56, v41;
	v52 =	vld [tilespmem:s28+$0x7E00];
	v21 =	vadd.f32 v44, v21;
	v44 =	vmul.f32 v22, v26  }
0x9b: {  	v56 =	vmul.f32 v19, v26;
	v23 =	vadd.f32 v53, v23;
	v16 =	vadd.f32 v12, v16;
	v54 =	vld [tilespmem:s26+$0xFFFFFFD0]  }
0x9c: {  	v39 =	vadd.f32 v46, v39;
	v46 =	vmul.f32 v9, v8;
	v18 =	vadd.f32 v42, v18;
	v19 =	vld [tilespmem:s26+$0xFFFFFFC0]  }
0x9d: {  	v42 =	vmul.f32 v4, v8;
	v38 =	vadd.f32 v51, v38;
	v43 =	vadd.f32 v50, v43;
	v4 =	vmovc v59  }
0x9e: {  	v20 =	vadd.f32 v35, v20;
	v28 =	vadd.f32 v47, v28;
	v22 =	vmovc v55;
	v9 =	vmov v45  }
0x9f: {  	v49 =	vadd.f32 v56, v49;
	v26 =	vperm.xlane v52, v0;
	v30 =	vperm.xlane v52, v1  }
0xa0: {  	v37 =	vadd.f32 v46, v37;
	v8 =	vperm.xlane v52, v2;
	v12 =	vperm.xlane v52, v3  }
0xa1: {  	v36 =	vadd.f32 v42, v36;
	v35 =	vmul.f32 v4, v26;
	v45 =	vmul.f32 v22, v30  }
0xa2: {  	v48 =	vadd.f32 v44, v48;
	v42 =	vmul.f32 v19, v30;
	v46 =	vmul.f32 v9, v26  }
0xa3: {  	v47 =	vmul.f32 v19, v12;
	v44 =	vmul.f32 v54, v26;
	v10 =	vadd.f32 v45, v10  }
0xa4: {  	v53 =	vmul.f32 v54, v30;
	v45 =	vmul.f32 v19, v8;
	v24 =	vadd.f32 v46, v24  }
0xa5: {  	v50 =	vmul.f32 v54, v8;
	v51 =	vmul.f32 v54, v12;
	v27 =	vadd.f32 v44, v27  }
0xa6: {  	v56 =	vmul.f32 v22, v8;
	v46 =	vmul.f32 v9, v30;
	v13 =	vadd.f32 v45, v13;
	v44 =	vld [tilespmem:s26+$0x10]  }
0xa7: {  	v54 =	vmul.f32 v58, v26;
	v5 =	vadd.f32 v51, v5;
	v45 =	vmul.f32 v9, v12  }
.Ltmp1:
0xa8: {  	v55 =	vmul.f32 v4, v30;
	v25 =	vadd.f32 v42, v25;
	v11 =	vadd.f32 v56, v11;
	v52 =	vld [tilespmem:s26+$0x20];
	(pc) =	sbr.rel @p0 .LBB2_5-.Ltmp1, $4  }
0xa9: {  	v57 =	vmul.f32 v22, v12;
	v33 =	vadd.f32 v35, v33;
	v35 =	vmul.f32 v4, v12  }
0xaa: {  	v14 =	vadd.f32 v47, v14;
	v51 =	vmul.f32 v58, v30;
	v47 =	vmul.f32 v58, v8  }
0xab: {  	v42 =	vmul.f32 v58, v12;
	v6 =	vadd.f32 v57, v6;
	v56 =	vmul.f32 v44, v26  }
0xac: {  	v31 =	vadd.f32 v53, v31;
	s26 =	sadd.s32 $0x80, s26;
	v57 =	vmul.f32 v44, v30;
	v53 =	vmul.f32 v44, v8  }
0xad: {  	[tilespmem:$0x8410] =	vst v27  }
0xae: {  	[tilespmem:$0x8420] =	vst v24  }
0xaf: {  	[tilespmem:$0x8430] =	vst v33  }
0xb0: {  	[tilespmem:$0x8480] =	vst v25  }
0xb1: {  	[tilespmem:$0x84F0] =	vst v10  }
0xb2: {  	[tilespmem:$0x8500] =	vst v13  }
0xb3: {  	[tilespmem:$0x8570] =	vst v11  }
0xb4: {  	[tilespmem:$0x8580] =	vst v14  }
0xb5: {  	[tilespmem:$0x8590] =	vst v5  }
0xb6: {  	v40 =	vadd.f32 v54, v40;
	[tilespmem:$0x85F0] =	vst v6  }
0xb7: {  	v41 =	vadd.f32 v56, v41;
	[tilespmem:$0x8490] =	vst v31  }
0xb8: {  	v7 =	vadd.f32 v50, v7;
	[tilespmem:$0x8440] =	vst v40  }
0xb9: {  	v59 =	vadd.f32 v47, v28;
	[tilespmem:$0x8450] =	vst v41  }
0xba: {  	v62 =	vadd.f32 v35, v20;
	[tilespmem:$0x8510] =	vst v7  }
0xbb: {  	v19 =	vmul.f32 v19, v26;
	v56 =	vadd.f32 v57, v29;
	[tilespmem:$0x8540] =	vst v59  }
0xbc: {  	v22 =	vmul.f32 v22, v26;
	v60 =	vadd.f32 v53, v23;
	[tilespmem:$0x85B0] =	vst v62  }
0xbd: {  	v19 =	vadd.f32 v19, v49;
	[tilespmem:$0x84D0] =	vst v56  }
0xbe: {  	v22 =	vadd.f32 v22, v48;
	[tilespmem:$0x8550] =	vst v60  }
0xbf: {  	v48 =	vadd.f32 v46, v39;
	[tilespmem:$0x8400] =	vst v19  }
0xc0: {  	v54 =	vmul.f32 v52, v30;
	v49 =	vadd.f32 v55, v34;
	[tilespmem:$0x8470] =	vst v22  }
0xc1: {  	v9 =	vmul.f32 v9, v8;
	v55 =	vadd.f32 v51, v38;
	[tilespmem:$0x84A0] =	vst v48  }
0xc2: {  	v4 =	vmul.f32 v4, v8;
	v57 =	vadd.f32 v54, v32;
	[tilespmem:$0x84B0] =	vst v49  }
0xc3: {  	v5 =	vmul.f32 v52, v12;
	v9 =	vadd.f32 v9, v37;
	[tilespmem:$0x84C0] =	vst v55  }
0xc4: {  	v58 =	vmul.f32 v52, v8;
	v4 =	vadd.f32 v4, v36;
	[tilespmem:$0x84E0] =	vst v57  }
0xc5: {  	v63 =	vmul.f32 v52, v26;
	v5 =	vadd.f32 v5, v16;
	[tilespmem:$0x8520] =	vst v9  }
0xc6: {  	[tilespmem:$0x8530] =	vst v4;
	v4 =	vadd.f32 v58, v21  }
0xc7: {  	v19 =	vadd.f32 v63, v43;
	[tilespmem:$0x85E0] =	vst v5  }
0xc8: {  	v61 =	vmul.f32 v44, v12;
	[tilespmem:$0x8560] =	vst v4;
	v4 =	vadd.f32 v45, v17  }
0xc9: {  	v63 =	vadd.f32 v42, v18;
	[tilespmem:$0x8460] =	vst v19  }
0xca: {  	s24 =	sadd.s32 s4, s24;
	s23 =	sadd.s32 $0x1, s23;
	[tilespmem:$0x85A0] =	vst v4;
	v4 =	vadd.f32 v61, v15  }
0xcb: {  	s24 =	sshll.u32 s24, $0x6;
	p0 =	sne.s32 s23, $0x10;
	[tilespmem:$0x85C0] =	vst v63  }
.Ltmp2:
0xcc: {  	s24 =	sadd.s32 s6, s24;
	[tilespmem:$0x85D0] =	vst v4;
	(pc) =	sbr.rel @p0 .LBB2_2-.Ltmp2, $4  }
0xcd: {  	[hbm4b:s24+s3] =	stream.linear.scatter [tilespmem:s19], [sflag:$0x5], $0x200, $0x38;
	[tilespmem:$0x8600] =	vst v63  }
0xce: {  	_ =	swait.ge [sflag:s10], $0x200  }
0xcf: {  	[sflag:s10] =	ssyncset.done $0x0  }
0xd0: {  	[sflag:s10] =	ssyncadd.s32 $0xFFFFFE00  }
0xd1: {  	s22 =	sadd.s32 $0x1, s22  }
0xd2: {  	p0 =	sne.s32 s22, s9  }
.Ltmp3:
0xd3: {  	_ = 	snop;
	(pc) =	sbr.rel @p0 .LBB2_1-.Ltmp3, $1  }
0xd4: {  	_ =	sdelay $0x3  }
0xd5: {  	_ =	sfence.sel $0x180000  }
0xd6: {  	[bflag:$0x0] =	sbarrier.arrive $0xFFFF  }
0xd7: {  	p0 =	sne.s32 s0, $0x0;
	_ =	strace $0x90000047  }
0xd8: {  	s0 =	sadd.s32 @!p0 $0x100000, s2;
	[bflag:$0x2] =	sbarrier.arrive $0xFFFF  }
0xd9: {  	[sflag:s0] =	ssyncadd.tile.s32 @!p0 $0x1;
	_ =	shalt  }
.Lfunc_end2:
_tile_overlayer_lowered:
.L_overlay_start_2:
0xda: {  	(tag) =	ssettag $0x2  }
0xdb: {  	s0 =	rddreg [dreg:$0x0];
	s2 =	stileid.u32  }
0xdc: {  	s1 =	rddreg [dreg:$0x1];
	p0 =	sne.s32 s2, $0x0  }
0xdd: {  	s3 =	rddreg [dreg:$0x2];
	[bflag:$0x3] =	sbarrier.arrive $0xFFFF;
	s2 =	simm.s32 @!p0 $0x1C05  }
0xde: {  	[timem:s3], [sflag:s2] =	dma.local @!p0 [hbm:s0], s1  }
0xdf: {  	s0 =	simm.s32 @!p0 $0x5  }
0xe0: {  	_ =	swait.ge @!p0 [sflag:s0], s1  }
0xe1: {  	s1 =	ssub.s32 @!p0 $0x0, s1;
	[sflag:s0] =	ssyncset.done @!p0 $0x0  }
0xe2: {  	[sflag:s0] =	ssyncadd.s32 @!p0 s1  }
0xe3: {  	[bflag:$0x3] =	sbarrier.arrive $0xFFFF  }
0xe4: {  	_ =	shalt  }

</sc_bundles>
